<compile_context>
chip_gen: v7x
topology: tpu7x:2x2x1
jax: 0.10.2.dev20260603
libtpu: 0.0.44.dev20260713+nightly
codegen_flags: <defaults>
</compile_context>

<pallas_src>
import functools

import jax
import jax.numpy as jnp
from jax import lax
from jax.experimental import pallas as pl
from jax.experimental.pallas import tpu as pltpu
from jax.experimental.pallas import tpu_sc as plsc

N_NODES = 10000
N_EDGES = 320000
D_FEAT = 128

NC = 2
NS = 16
L = 16
NW = NC * NS

CHUNK = 512
N_CHUNKS = N_EDGES // CHUNK
E_BIG = 20 * CHUNK
E_SMALL = 19 * CHUNK
N_BIG = N_CHUNKS - 19 * NW

TC_BLK = 10240


def _node_linear(x, wcat):

    def body(x_ref, w_ref, p_ref, c_ref):
        res = lax.dot_general(
            w_ref[...], x_ref[...],
            (((1,), (1,)), ((), ())),
            preferred_element_type=jnp.float32,
        )
        p_ref[...] = res[0]
        c_ref[...] = res[1]

    grid = (pl.cdiv(N_NODES, TC_BLK),)
    return pl.pallas_call(
        body,
        grid=grid,
        in_specs=[
            pl.BlockSpec((TC_BLK, D_FEAT), lambda i: (i, 0)),
            pl.BlockSpec((2, D_FEAT), lambda i: (0, 0)),
        ],
        out_specs=[
            pl.BlockSpec((TC_BLK,), lambda i: (i,)),
            pl.BlockSpec((TC_BLK,), lambda i: (i,)),
        ],
        out_shape=[
            jax.ShapeDtypeStruct((N_NODES,), jnp.float32),
            jax.ShapeDtypeStruct((N_NODES,), jnp.float32),
        ],
    )(x, wcat)


_sc_mesh = plsc.VectorSubcoreMesh(core_axis_name="c", subcore_axis_name="s")


@functools.partial(
    pl.kernel,
    mesh=_sc_mesh,
    out_type=jax.ShapeDtypeStruct((N_EDGES,), jnp.float32),
    compiler_params=pltpu.CompilerParams(needs_layout_passes=False),
    scratch_types=[
        pltpu.VMEM((N_NODES,), jnp.float32),
        pltpu.VMEM((N_NODES,), jnp.float32),
        pltpu.VMEM((2, E_BIG), jnp.int32),
        pltpu.VMEM((E_BIG,), jnp.float32),
        pltpu.VMEM((3 * L,), jnp.float32),
        pltpu.SemaphoreType.DMA,
    ],
)
def _edge_kernel(p_hbm, c_hbm, adjs_hbm, params_hbm, out_hbm,
                 p_v, c_v, sd_v, out_v, par_v, sem):
    wid = lax.axis_index("s") * NC + lax.axis_index("c")
    ebase = pl.multiple_of(
        (wid * 19 + jnp.minimum(wid, N_BIG)) * CHUNK, CHUNK
    )
    cps = [
        pltpu.async_copy(p_hbm, p_v, sem),
        pltpu.async_copy(c_hbm, c_v, sem),
        pltpu.async_copy(params_hbm, par_v, sem),
    ]

    def run(nedges):
        wv = par_v[pl.ds(0, L)]
        bv = par_v[pl.ds(L, L)]
        dv = par_v[pl.ds(2 * L, L)]

        @plsc.parallel_loop(0, nedges, step=L, unroll=16)
        def _(e0):
            sl = pl.ds(e0, L)
            gp = plsc.load_gather(p_v, [sd_v[1, sl]])
            gc = plsc.load_gather(c_v, [sd_v[0, sl]])
            out_v[sl] = jnp.abs(gp - gc + dv) * wv + bv

        pltpu.sync_copy(
            out_v.at[pl.ds(0, nedges)], out_hbm.at[pl.ds(ebase, nedges)]
        )

    @pl.when(wid < N_BIG)
    def _():
        cp = pltpu.async_copy(
            adjs_hbm.at[:, pl.ds(ebase, E_BIG)],
            sd_v.at[:, pl.ds(0, E_BIG)], sem,
        )
        for c0 in cps:
            c0.wait()
        cp.wait()
        run(E_BIG)

    @pl.when(wid >= N_BIG)
    def _():
        cp = pltpu.async_copy(
            adjs_hbm.at[:, pl.ds(ebase, E_SMALL)],
            sd_v.at[:, pl.ds(0, E_SMALL)], sem,
        )
        for c0 in cps:
            c0.wait()
        cp.wait()
        run(E_SMALL)


def kernel(x, adjs, Wp, bp, Wc, bc, W1, b1):
    wcat = jnp.concatenate([Wp, Wc], axis=1).T
    p, c = _node_linear(x, wcat)
    adjs32 = adjs.astype(jnp.int32)
    ones = jnp.ones((L,), jnp.float32)
    params = jnp.concatenate([
        W1.reshape(()) * ones,
        b1.reshape(()) * ones,
        (bp - bc).reshape(()) * ones,
    ])
    return _edge_kernel(p, c, adjs32, params)

# --- scband reference (transcript-rebuilt; emitter-appended) ---
"""Pipeline reference for scband-net-56650618635136 (READ-ONLY COPY).

The authoritative reference and input builder live on the scoring server;
editing this copy changes nothing except your own understanding.
"""

import jax, jax.numpy as jnp
import numpy as np

N_NODES = 10000
N_EDGES = 320000
D_FEAT = 128
OUT_CH = 1


def setup_inputs(seed: int = 0) -> dict:
    key = jax.random.key(seed)
    ks = jax.random.split(key, 8)
    x = jax.random.normal(ks[0], (N_NODES, D_FEAT), dtype=jnp.float32)
    adjs = jax.random.randint(ks[1], (2, N_EDGES), 0, N_NODES, dtype=jnp.int64)
    Wp = jax.random.normal(ks[2], (D_FEAT, OUT_CH), dtype=jnp.float32) * 0.05
    bp = jax.random.normal(ks[3], (OUT_CH,), dtype=jnp.float32) * 0.05
    Wc = jax.random.normal(ks[4], (D_FEAT, OUT_CH), dtype=jnp.float32) * 0.05
    bc = jax.random.normal(ks[5], (OUT_CH,), dtype=jnp.float32) * 0.05
    W1 = jax.random.normal(ks[6], (OUT_CH, OUT_CH), dtype=jnp.float32) * 0.05
    b1 = jax.random.normal(ks[7], (OUT_CH,), dtype=jnp.float32) * 0.05
    return {"x": x, "adjs": adjs, "Wp": Wp, "bp": bp, "Wc": Wc, "bc": bc, "W1": W1, "b1": b1}


def reference(x, adjs, Wp, bp, Wc, bc, W1, b1):
    # PyG flow source_to_target: x_j = x[src] = x[edge_index[0]], x_i = x[dst] = x[edge_index[1]]
    src = adjs[0]
    dst = adjs[1]
    x_j = jnp.take(x, src, axis=0)  # gather: [E, D]
    x_i = jnp.take(x, dst, axis=0)  # gather: [E, D]
    # custom aggregate: per-edge abs(lin_p(x_i) - lin_c(x_j)) -> [E, 1]
    agg = jnp.abs((x_i @ Wp + bp) - (x_j @ Wc + bc))
    # lin_1 on per-edge output -> [E, 1]
    out = agg @ W1 + b1
    # num_layers=1 -> dropout skipped; flatten
    return out.reshape(-1)

if __name__ == "__main__":
    import jax
    _d = setup_inputs()
    print(jax.jit(kernel)(*tuple(_d.values())))

</pallas_src>

<mosaic_0001>
#map = affine_map<(d0, d1) -> (0)>
#map1 = affine_map<(d0, d1) -> (0, 0)>
module attributes {stable_mosaic.version = 14 : i64} {
  func.func @_edge_kernel(%arg0: i32, %arg1: i32, %arg2: memref<10000xf32, #tpu.memory_space<hbm>>, %arg3: memref<10000xf32, #tpu.memory_space<hbm>>, %arg4: memref<2x320000xi32, #tpu.memory_space<hbm>>, %arg5: memref<48xf32, #tpu.memory_space<hbm>>, %arg6: memref<320000xf32, #tpu.memory_space<hbm>>, %arg7: memref<10000xf32, #tpu.memory_space<vmem>>, %arg8: memref<10000xf32, #tpu.memory_space<vmem>>, %arg9: memref<2x10240xi32, #tpu.memory_space<vmem>>, %arg10: memref<10240xf32, #tpu.memory_space<vmem>>, %arg11: memref<48xf32, #tpu.memory_space<vmem>>, %arg12: memref<!tpu.dma_semaphore, #tpu.memory_space<semaphore_mem>>) attributes {dimension_semantics = [#tpu.dimension_semantics<core_parallel>, #tpu.dimension_semantics<subcore_parallel>], iteration_bounds = array<i64: 2, 16>, scalar_prefetch = 0 : i64, scratch_operands = 6 : i64, tpu.core_type = #tpu.core_type<sc_vector_subcore>, window_params = [{transform_indices = #map}, {transform_indices = #map}, {transform_indices = #map1}, {transform_indices = #map}, {transform_indices = #map}]} {
    %mul3A = arith.constant 2 : i32
    %mul3A_0 = arith.muli %arg1, %mul3A : i32
    %add3A = arith.addi %mul3A_0, %arg0 : i32
    %mul3A_1 = arith.constant 19 : i32
    %mul3A_2 = arith.muli %add3A, %mul3A_1 : i32
    %min3A = arith.constant 17 : i32
    %min3A_3 = arith.minsi %add3A, %min3A : i32
    %add3A_4 = arith.addi %mul3A_2, %min3A_3 : i32
    %mul3A_5 = arith.constant 512 : i32
    %mul3A_6 = arith.muli %add3A_4, %mul3A_5 : i32
    %multiple_of3A = tpu.assume_multiple %mul3A_6, 512 : i32
    tpu.enqueue_dma source(%arg2 : memref<10000xf32, #tpu.memory_space<hbm>>) target(%arg7 : memref<10000xf32, #tpu.memory_space<vmem>>) target_semaphore(%arg12 : memref<!tpu.dma_semaphore, #tpu.memory_space<semaphore_mem>>)
    tpu.enqueue_dma source(%arg3 : memref<10000xf32, #tpu.memory_space<hbm>>) target(%arg8 : memref<10000xf32, #tpu.memory_space<vmem>>) target_semaphore(%arg12 : memref<!tpu.dma_semaphore, #tpu.memory_space<semaphore_mem>>)
    tpu.enqueue_dma source(%arg5 : memref<48xf32, #tpu.memory_space<hbm>>) target(%arg11 : memref<48xf32, #tpu.memory_space<vmem>>) target_semaphore(%arg12 : memref<!tpu.dma_semaphore, #tpu.memory_space<semaphore_mem>>)
    %lt3A = arith.constant 17 : i32
    %lt3A_7 = arith.cmpi slt, %add3A, %lt3A : i32
    %convert_element_type3A = arith.extui %lt3A_7 : i1 to i32
    %cond3A = arith.constant 0 : i32
    %cond3A_8 = arith.cmpi ne, %convert_element_type3A, %cond3A : i32
    scf.if %cond3A_8 {
      %dma_start3A = arith.constant 0 : i32
      %dma_start3A_13 = arith.constant 0 : i32
      %dma_start3A_14 = tpu.memref_slice %arg9[%dma_start3A, %dma_start3A_13] : memref<2x10240xi32, #tpu.memory_space<vmem>> -> memref<2x10240xi32, #tpu.memory_space<vmem>>
      %dma_start3A_15 = arith.constant 0 : i32
      %dma_start3A_16 = tpu.memref_slice %arg4[%dma_start3A_15, %multiple_of3A] : memref<2x320000xi32, #tpu.memory_space<hbm>> -> memref<2x10240xi32, #tpu.memory_space<hbm>>
      %dma_start3A_17 = arith.constant 0 : i32
      %dma_start3A_18 = arith.constant 0 : i32
      %dma_start3A_19 = tpu.memref_slice %arg9[%dma_start3A_17, %dma_start3A_18] : memref<2x10240xi32, #tpu.memory_space<vmem>> -> memref<2x10240xi32, #tpu.memory_space<vmem>>
      %dma_start3A_20 = arith.constant 0 : i32
      %dma_start3A_21 = tpu.memref_slice %arg4[%dma_start3A_20, %multiple_of3A] : memref<2x320000xi32, #tpu.memory_space<hbm>> -> memref<2x10240xi32, #tpu.memory_space<hbm>>
      tpu.enqueue_dma source(%dma_start3A_21 : memref<2x10240xi32, #tpu.memory_space<hbm>>) target(%dma_start3A_19 : memref<2x10240xi32, #tpu.memory_space<vmem>>) target_semaphore(%arg12 : memref<!tpu.dma_semaphore, #tpu.memory_space<semaphore_mem>>)
      tpu.wait_dma2 semaphore(%arg12 : memref<!tpu.dma_semaphore, #tpu.memory_space<semaphore_mem>>) src(%arg2 : memref<10000xf32, #tpu.memory_space<hbm>>) dst(%arg7 : memref<10000xf32, #tpu.memory_space<vmem>>)
      tpu.wait_dma2 semaphore(%arg12 : memref<!tpu.dma_semaphore, #tpu.memory_space<semaphore_mem>>) src(%arg3 : memref<10000xf32, #tpu.memory_space<hbm>>) dst(%arg8 : memref<10000xf32, #tpu.memory_space<vmem>>)
      tpu.wait_dma2 semaphore(%arg12 : memref<!tpu.dma_semaphore, #tpu.memory_space<semaphore_mem>>) src(%arg5 : memref<48xf32, #tpu.memory_space<hbm>>) dst(%arg11 : memref<48xf32, #tpu.memory_space<vmem>>)
      %dma_wait3A = arith.constant 0 : i32
      %dma_wait3A_22 = arith.constant 0 : i32
      %dma_wait3A_23 = tpu.memref_slice %arg9[%dma_wait3A, %dma_wait3A_22] : memref<2x10240xi32, #tpu.memory_space<vmem>> -> memref<2x10240xi32, #tpu.memory_space<vmem>>
      %dma_wait3A_24 = arith.constant 0 : i32
      %dma_wait3A_25 = tpu.memref_slice %arg4[%dma_wait3A_24, %multiple_of3A] : memref<2x320000xi32, #tpu.memory_space<hbm>> -> memref<2x10240xi32, #tpu.memory_space<hbm>>
      %dma_wait3A_26 = arith.constant 0 : i32
      %dma_wait3A_27 = arith.constant 0 : i32
      %dma_wait3A_28 = tpu.memref_slice %arg9[%dma_wait3A_26, %dma_wait3A_27] : memref<2x10240xi32, #tpu.memory_space<vmem>> -> memref<2x10240xi32, #tpu.memory_space<vmem>>
      %dma_wait3A_29 = arith.constant 0 : i32
      %dma_wait3A_30 = tpu.memref_slice %arg4[%dma_wait3A_29, %multiple_of3A] : memref<2x320000xi32, #tpu.memory_space<hbm>> -> memref<2x10240xi32, #tpu.memory_space<hbm>>
      tpu.wait_dma2 semaphore(%arg12 : memref<!tpu.dma_semaphore, #tpu.memory_space<semaphore_mem>>) src(%dma_wait3A_30 : memref<2x10240xi32, #tpu.memory_space<hbm>>) dst(%dma_wait3A_28 : memref<2x10240xi32, #tpu.memory_space<vmem>>)
      %get3A = arith.constant 0 : index
      %get3A_31 = tpu.vector_load %arg11[%get3A] {strides = array<i32>} : memref<48xf32, #tpu.memory_space<vmem>>, vector<16xf32>,
      %get3A_32 = arith.constant 16 : index
      %get3A_33 = tpu.vector_load %arg11[%get3A_32] {strides = array<i32>} : memref<48xf32, #tpu.memory_space<vmem>>, vector<16xf32>,
      %get3A_34 = arith.constant 32 : index
      %get3A_35 = tpu.vector_load %arg11[%get3A_34] {strides = array<i32>} : memref<48xf32, #tpu.memory_space<vmem>>, vector<16xf32>,
      %parallel_loop3A = arith.constant 0 : i32
      %parallel_loop3A_36 = arith.constant 10240 : i32
      %parallel_loop3A_37 = arith.constant 16 : i32
      scf.for %parallel_loop3A_38 = %parallel_loop3A to %parallel_loop3A_36 step %parallel_loop3A_37  : i32 {
        %parallel_loop3A_39 = arith.constant 1 : i32
        %parallel_loop3A_40 = arith.index_cast %parallel_loop3A_39 : i32 to index
        %parallel_loop3A_41 = arith.index_cast %parallel_loop3A_38 : i32 to index
        %parallel_loop3A_42 = tpu.vector_load %arg9[%parallel_loop3A_40, %parallel_loop3A_41] {strides = array<i32>} : memref<2x10240xi32, #tpu.memory_space<vmem>>, vector<16xi32>,
        %parallel_loop3A_43 = tpu.vector_load_idx %arg7[%parallel_loop3A_42] : memref<10000xf32, #tpu.memory_space<vmem>>[vector<16xi32>], vector<16xf32>,
        %parallel_loop3A_44 = arith.constant 0 : i32
        %parallel_loop3A_45 = arith.index_cast %parallel_loop3A_44 : i32 to index
        %parallel_loop3A_46 = arith.index_cast %parallel_loop3A_38 : i32 to index
        %parallel_loop3A_47 = tpu.vector_load %arg9[%parallel_loop3A_45, %parallel_loop3A_46] {strides = array<i32>} : memref<2x10240xi32, #tpu.memory_space<vmem>>, vector<16xi32>,
        %parallel_loop3A_48 = tpu.vector_load_idx %arg8[%parallel_loop3A_47] : memref<10000xf32, #tpu.memory_space<vmem>>[vector<16xi32>], vector<16xf32>,
        %parallel_loop3A_49 = arith.subf %parallel_loop3A_43, %parallel_loop3A_48 : vector<16xf32>
        %parallel_loop3A_50 = arith.addf %parallel_loop3A_49, %get3A_35 : vector<16xf32>
        %parallel_loop3A_51 = math.absf %parallel_loop3A_50 : vector<16xf32>
        %parallel_loop3A_52 = arith.mulf %parallel_loop3A_51, %get3A_31 : vector<16xf32>
        %parallel_loop3A_53 = arith.addf %parallel_loop3A_52, %get3A_33 : vector<16xf32>
        %parallel_loop3A_54 = arith.index_cast %parallel_loop3A_38 : i32 to index
        %parallel_loop3A_55 = tpu.vector_load %arg10[%parallel_loop3A_54] {strides = array<i32>} : memref<10240xf32, #tpu.memory_space<vmem>>, vector<16xf32>,
        tpu.vector_store %arg10[%parallel_loop3A_54], %parallel_loop3A_53 {strides = array<i32>} : memref<10240xf32, #tpu.memory_space<vmem>>, vector<16xf32>,
      } {sc.loop_unroll_factor = 16 : i64, sc.parallel_access}
      "tpu.region"() ({
        %run_scoped3A = tpu.sem_alloc : memref<!tpu.dma_semaphore, #tpu.memory_space<semaphore_mem>>
        %dma_start3A_38 = arith.constant 0 : i32
        %dma_start3A_39 = tpu.memref_slice %arg10[%dma_start3A_38] : memref<10240xf32, #tpu.memory_space<vmem>> -> memref<10240xf32, #tpu.memory_space<vmem>>
        %dma_start3A_40 = tpu.memref_slice %arg6[%multiple_of3A] : memref<320000xf32, #tpu.memory_space<hbm>> -> memref<10240xf32, #tpu.memory_space<hbm>>
        %dma_start3A_41 = tpu.memref_slice %arg6[%multiple_of3A] : memref<320000xf32, #tpu.memory_space<hbm>> -> memref<10240xf32, #tpu.memory_space<hbm>>
        %dma_start3A_42 = arith.constant 0 : i32
        %dma_start3A_43 = tpu.memref_slice %arg10[%dma_start3A_42] : memref<10240xf32, #tpu.memory_space<vmem>> -> memref<10240xf32, #tpu.memory_space<vmem>>
        tpu.enqueue_dma source(%dma_start3A_43 : memref<10240xf32, #tpu.memory_space<vmem>>) target(%dma_start3A_41 : memref<10240xf32, #tpu.memory_space<hbm>>) target_semaphore(%run_scoped3A : memref<!tpu.dma_semaphore, #tpu.memory_space<semaphore_mem>>)
        %dma_wait3A_44 = arith.constant 0 : i32
        %dma_wait3A_45 = tpu.memref_slice %arg10[%dma_wait3A_44] : memref<10240xf32, #tpu.memory_space<vmem>> -> memref<10240xf32, #tpu.memory_space<vmem>>
        %dma_wait3A_46 = tpu.memref_slice %arg6[%multiple_of3A] : memref<320000xf32, #tpu.memory_space<hbm>> -> memref<10240xf32, #tpu.memory_space<hbm>>
        %dma_wait3A_47 = tpu.memref_slice %arg6[%multiple_of3A] : memref<320000xf32, #tpu.memory_space<hbm>> -> memref<10240xf32, #tpu.memory_space<hbm>>
        %dma_wait3A_48 = arith.constant 0 : i32
        %dma_wait3A_49 = tpu.memref_slice %arg10[%dma_wait3A_48] : memref<10240xf32, #tpu.memory_space<vmem>> -> memref<10240xf32, #tpu.memory_space<vmem>>
        tpu.wait_dma2 semaphore(%run_scoped3A : memref<!tpu.dma_semaphore, #tpu.memory_space<semaphore_mem>>) src(%dma_wait3A_49 : memref<10240xf32, #tpu.memory_space<vmem>>) dst(%dma_wait3A_47 : memref<10240xf32, #tpu.memory_space<hbm>>)
        tpu.yield
      }) : () -> ()
    } else {
    }
    %ge3A = arith.constant 17 : i32
    %ge3A_9 = arith.cmpi sge, %add3A, %ge3A : i32
    %convert_element_type3A_10 = arith.extui %ge3A_9 : i1 to i32
    %cond3A_11 = arith.constant 0 : i32
    %cond3A_12 = arith.cmpi ne, %convert_element_type3A_10, %cond3A_11 : i32
    scf.if %cond3A_12 {
      %dma_start3A = arith.constant 0 : i32
      %dma_start3A_13 = arith.constant 0 : i32
      %dma_start3A_14 = tpu.memref_slice %arg9[%dma_start3A, %dma_start3A_13] : memref<2x10240xi32, #tpu.memory_space<vmem>> -> memref<2x9728xi32, #tpu.memory_space<vmem>>
      %dma_start3A_15 = arith.constant 0 : i32
      %dma_start3A_16 = tpu.memref_slice %arg4[%dma_start3A_15, %multiple_of3A] : memref<2x320000xi32, #tpu.memory_space<hbm>> -> memref<2x9728xi32, #tpu.memory_space<hbm>>
      %dma_start3A_17 = arith.constant 0 : i32
      %dma_start3A_18 = arith.constant 0 : i32
      %dma_start3A_19 = tpu.memref_slice %arg9[%dma_start3A_17, %dma_start3A_18] : memref<2x10240xi32, #tpu.memory_space<vmem>> -> memref<2x9728xi32, #tpu.memory_space<vmem>>
      %dma_start3A_20 = arith.constant 0 : i32
      %dma_start3A_21 = tpu.memref_slice %arg4[%dma_start3A_20, %multiple_of3A] : memref<2x320000xi32, #tpu.memory_space<hbm>> -> memref<2x9728xi32, #tpu.memory_space<hbm>>
      tpu.enqueue_dma source(%dma_start3A_21 : memref<2x9728xi32, #tpu.memory_space<hbm>>) target(%dma_start3A_19 : memref<2x9728xi32, #tpu.memory_space<vmem>>) target_semaphore(%arg12 : memref<!tpu.dma_semaphore, #tpu.memory_space<semaphore_mem>>)
      tpu.wait_dma2 semaphore(%arg12 : memref<!tpu.dma_semaphore, #tpu.memory_space<semaphore_mem>>) src(%arg2 : memref<10000xf32, #tpu.memory_space<hbm>>) dst(%arg7 : memref<10000xf32, #tpu.memory_space<vmem>>)
      tpu.wait_dma2 semaphore(%arg12 : memref<!tpu.dma_semaphore, #tpu.memory_space<semaphore_mem>>) src(%arg3 : memref<10000xf32, #tpu.memory_space<hbm>>) dst(%arg8 : memref<10000xf32, #tpu.memory_space<vmem>>)
      tpu.wait_dma2 semaphore(%arg12 : memref<!tpu.dma_semaphore, #tpu.memory_space<semaphore_mem>>) src(%arg5 : memref<48xf32, #tpu.memory_space<hbm>>) dst(%arg11 : memref<48xf32, #tpu.memory_space<vmem>>)
      %dma_wait3A = arith.constant 0 : i32
      %dma_wait3A_22 = arith.constant 0 : i32
      %dma_wait3A_23 = tpu.memref_slice %arg9[%dma_wait3A, %dma_wait3A_22] : memref<2x10240xi32, #tpu.memory_space<vmem>> -> memref<2x9728xi32, #tpu.memory_space<vmem>>
      %dma_wait3A_24 = arith.constant 0 : i32
      %dma_wait3A_25 = tpu.memref_slice %arg4[%dma_wait3A_24, %multiple_of3A] : memref<2x320000xi32, #tpu.memory_space<hbm>> -> memref<2x9728xi32, #tpu.memory_space<hbm>>
      %dma_wait3A_26 = arith.constant 0 : i32
      %dma_wait3A_27 = arith.constant 0 : i32
      %dma_wait3A_28 = tpu.memref_slice %arg9[%dma_wait3A_26, %dma_wait3A_27] : memref<2x10240xi32, #tpu.memory_space<vmem>> -> memref<2x9728xi32, #tpu.memory_space<vmem>>
      %dma_wait3A_29 = arith.constant 0 : i32
      %dma_wait3A_30 = tpu.memref_slice %arg4[%dma_wait3A_29, %multiple_of3A] : memref<2x320000xi32, #tpu.memory_space<hbm>> -> memref<2x9728xi32, #tpu.memory_space<hbm>>
      tpu.wait_dma2 semaphore(%arg12 : memref<!tpu.dma_semaphore, #tpu.memory_space<semaphore_mem>>) src(%dma_wait3A_30 : memref<2x9728xi32, #tpu.memory_space<hbm>>) dst(%dma_wait3A_28 : memref<2x9728xi32, #tpu.memory_space<vmem>>)
      %get3A = arith.constant 0 : index
      %get3A_31 = tpu.vector_load %arg11[%get3A] {strides = array<i32>} : memref<48xf32, #tpu.memory_space<vmem>>, vector<16xf32>,
      %get3A_32 = arith.constant 16 : index
      %get3A_33 = tpu.vector_load %arg11[%get3A_32] {strides = array<i32>} : memref<48xf32, #tpu.memory_space<vmem>>, vector<16xf32>,
      %get3A_34 = arith.constant 32 : index
      %get3A_35 = tpu.vector_load %arg11[%get3A_34] {strides = array<i32>} : memref<48xf32, #tpu.memory_space<vmem>>, vector<16xf32>,
      %parallel_loop3A = arith.constant 0 : i32
      %parallel_loop3A_36 = arith.constant 9728 : i32
      %parallel_loop3A_37 = arith.constant 16 : i32
      scf.for %parallel_loop3A_38 = %parallel_loop3A to %parallel_loop3A_36 step %parallel_loop3A_37  : i32 {
        %parallel_loop3A_39 = arith.constant 1 : i32
        %parallel_loop3A_40 = arith.index_cast %parallel_loop3A_39 : i32 to index
        %parallel_loop3A_41 = arith.index_cast %parallel_loop3A_38 : i32 to index
        %parallel_loop3A_42 = tpu.vector_load %arg9[%parallel_loop3A_40, %parallel_loop3A_41] {strides = array<i32>} : memref<2x10240xi32, #tpu.memory_space<vmem>>, vector<16xi32>,
        %parallel_loop3A_43 = tpu.vector_load_idx %arg7[%parallel_loop3A_42] : memref<10000xf32, #tpu.memory_space<vmem>>[vector<16xi32>], vector<16xf32>,
        %parallel_loop3A_44 = arith.constant 0 : i32
        %parallel_loop3A_45 = arith.index_cast %parallel_loop3A_44 : i32 to index
        %parallel_loop3A_46 = arith.index_cast %parallel_loop3A_38 : i32 to index
        %parallel_loop3A_47 = tpu.vector_load %arg9[%parallel_loop3A_45, %parallel_loop3A_46] {strides = array<i32>} : memref<2x10240xi32, #tpu.memory_space<vmem>>, vector<16xi32>,
        %parallel_loop3A_48 = tpu.vector_load_idx %arg8[%parallel_loop3A_47] : memref<10000xf32, #tpu.memory_space<vmem>>[vector<16xi32>], vector<16xf32>,
        %parallel_loop3A_49 = arith.subf %parallel_loop3A_43, %parallel_loop3A_48 : vector<16xf32>
        %parallel_loop3A_50 = arith.addf %parallel_loop3A_49, %get3A_35 : vector<16xf32>
        %parallel_loop3A_51 = math.absf %parallel_loop3A_50 : vector<16xf32>
        %parallel_loop3A_52 = arith.mulf %parallel_loop3A_51, %get3A_31 : vector<16xf32>
        %parallel_loop3A_53 = arith.addf %parallel_loop3A_52, %get3A_33 : vector<16xf32>
        %parallel_loop3A_54 = arith.index_cast %parallel_loop3A_38 : i32 to index
        %parallel_loop3A_55 = tpu.vector_load %arg10[%parallel_loop3A_54] {strides = array<i32>} : memref<10240xf32, #tpu.memory_space<vmem>>, vector<16xf32>,
        tpu.vector_store %arg10[%parallel_loop3A_54], %parallel_loop3A_53 {strides = array<i32>} : memref<10240xf32, #tpu.memory_space<vmem>>, vector<16xf32>,
      } {sc.loop_unroll_factor = 16 : i64, sc.parallel_access}
      "tpu.region"() ({
        %run_scoped3A = tpu.sem_alloc : memref<!tpu.dma_semaphore, #tpu.memory_space<semaphore_mem>>
        %dma_start3A_38 = arith.constant 0 : i32
        %dma_start3A_39 = tpu.memref_slice %arg10[%dma_start3A_38] : memref<10240xf32, #tpu.memory_space<vmem>> -> memref<9728xf32, #tpu.memory_space<vmem>>
        %dma_start3A_40 = tpu.memref_slice %arg6[%multiple_of3A] : memref<320000xf32, #tpu.memory_space<hbm>> -> memref<9728xf32, #tpu.memory_space<hbm>>
        %dma_start3A_41 = tpu.memref_slice %arg6[%multiple_of3A] : memref<320000xf32, #tpu.memory_space<hbm>> -> memref<9728xf32, #tpu.memory_space<hbm>>
        %dma_start3A_42 = arith.constant 0 : i32
        %dma_start3A_43 = tpu.memref_slice %arg10[%dma_start3A_42] : memref<10240xf32, #tpu.memory_space<vmem>> -> memref<9728xf32, #tpu.memory_space<vmem>>
        tpu.enqueue_dma source(%dma_start3A_43 : memref<9728xf32, #tpu.memory_space<vmem>>) target(%dma_start3A_41 : memref<9728xf32, #tpu.memory_space<hbm>>) target_semaphore(%run_scoped3A : memref<!tpu.dma_semaphore, #tpu.memory_space<semaphore_mem>>)
        %dma_wait3A_44 = arith.constant 0 : i32
        %dma_wait3A_45 = tpu.memref_slice %arg10[%dma_wait3A_44] : memref<10240xf32, #tpu.memory_space<vmem>> -> memref<9728xf32, #tpu.memory_space<vmem>>
        %dma_wait3A_46 = tpu.memref_slice %arg6[%multiple_of3A] : memref<320000xf32, #tpu.memory_space<hbm>> -> memref<9728xf32, #tpu.memory_space<hbm>>
        %dma_wait3A_47 = tpu.memref_slice %arg6[%multiple_of3A] : memref<320000xf32, #tpu.memory_space<hbm>> -> memref<9728xf32, #tpu.memory_space<hbm>>
        %dma_wait3A_48 = arith.constant 0 : i32
        %dma_wait3A_49 = tpu.memref_slice %arg10[%dma_wait3A_48] : memref<10240xf32, #tpu.memory_space<vmem>> -> memref<9728xf32, #tpu.memory_space<vmem>>
        tpu.wait_dma2 semaphore(%run_scoped3A : memref<!tpu.dma_semaphore, #tpu.memory_space<semaphore_mem>>) src(%dma_wait3A_49 : memref<9728xf32, #tpu.memory_space<vmem>>) dst(%dma_wait3A_47 : memref<9728xf32, #tpu.memory_space<hbm>>)
        tpu.yield
      }) : () -> ()
    } else {
    }
    return
  }
}

module attributes {stable_mosaic.version = 14 : i64} {
  func.func @body(%arg0: i32, %arg1: memref<10240x128xf32, #tpu.memory_space<vmem>>, %arg2: memref<2x128xf32, #tpu.memory_space<vmem>>, %arg3: memref<10240xf32, #tpu.memory_space<vmem>>, %arg4: memref<10240xf32, #tpu.memory_space<vmem>>) attributes {dimension_semantics = [#tpu.dimension_semantics<arbitrary>], iteration_bounds = array<i64: 1>, scalar_prefetch = 0 : i64, scratch_operands = 0 : i64, tpu.core_type = #tpu.core_type<tc>, window_params = [{transform_indices = @transform_0, window_bounds = array<i64: 10240, 128>}, {pipeline_mode = #tpu.pipeline_mode<synchronous>, transform_indices = @transform_1, window_bounds = array<i64: 2, 128>}, {transform_indices = @transform_2, window_bounds = array<i64: 10240>}, {transform_indices = @transform_3, window_bounds = array<i64: 10240>}]} {
    %get3A = arith.constant 0 : index
    %get3A_0 = arith.constant 0 : index
    %get3A_1 = vector.load %arg2[%get3A, %get3A_0] : memref<2x128xf32, #tpu.memory_space<vmem>>, vector<2x128xf32>
    %get3A_2 = arith.constant 0 : index
    %get3A_3 = arith.constant 0 : index
    %get3A_4 = vector.load %arg1[%get3A_2, %get3A_3] : memref<10240x128xf32, #tpu.memory_space<vmem>>, vector<10240x128xf32>
    %dot_general3A = arith.constant dense<0.000000e+00> : vector<2x10240xf32>
    %dot_general3A_5 = tpu.matmul %get3A_1, %get3A_4, %dot_general3A {dimension_numbers = #tpu.dot_dimension_numbers<[1], [1], [0], [0], [0, 0, 1, 0], [], []>, transpose_lhs_hint = false} : vector<2x128xf32>, vector<10240x128xf32>, vector<2x10240xf32> -> vector<2x10240xf32>
    %slice3A = vector.extract_strided_slice %dot_general3A_5 {offsets = [0, 0], sizes = [1, 10240], strides = [1, 1]} : vector<2x10240xf32> to vector<1x10240xf32>
    %squeeze3A = vector.shape_cast %slice3A : vector<1x10240xf32> to vector<10240xf32>
    %swap3A = arith.constant 0 : index
    %swap3A_6 = vector.load %arg3[%swap3A] : memref<10240xf32, #tpu.memory_space<vmem>>, vector<10240xf32>
    tpu.vector_store %arg3[%swap3A], %squeeze3A {strides = array<i32>} : memref<10240xf32, #tpu.memory_space<vmem>>, vector<10240xf32>,
    %slice3A_7 = vector.extract_strided_slice %dot_general3A_5 {offsets = [1, 0], sizes = [1, 10240], strides = [1, 1]} : vector<2x10240xf32> to vector<1x10240xf32>
    %squeeze3A_8 = vector.shape_cast %slice3A_7 : vector<1x10240xf32> to vector<10240xf32>
    %swap3A_9 = arith.constant 0 : index
    %swap3A_10 = vector.load %arg4[%swap3A_9] : memref<10240xf32, #tpu.memory_space<vmem>>, vector<10240xf32>
    tpu.vector_store %arg4[%swap3A_9], %squeeze3A_8 {strides = array<i32>} : memref<10240xf32, #tpu.memory_space<vmem>>, vector<10240xf32>,
    return
  }
  func.func @transform_0(%arg0: i32) -> (i32, i32) {
    %c0_i32 = arith.constant 0 : i32
    %c0_i32_0 = arith.constant 0 : i32
    return %arg0, %c0_i32 : i32, i32
  }
  func.func @transform_1(%arg0: i32) -> (i32, i32) {
    %c0_i32 = arith.constant 0 : i32
    %c0_i32_0 = arith.constant 0 : i32
    %c0_i32_1 = arith.constant 0 : i32
    return %c0_i32, %c0_i32_0 : i32, i32
  }
  func.func @transform_2(%arg0: i32) -> i32 {
    %c0_i32 = arith.constant 0 : i32
    return %arg0 : i32
  }
  func.func @transform_3(%arg0: i32) -> i32 {
    %c0_i32 = arith.constant 0 : i32
    return %arg0 : i32
  }
}

</mosaic_0001>

<sc_bundles>
// kernel: kernel.4.cloned.1.call-start
scs
__scs_entry_jumppad:
0x0: {  	(pc) =	sbr.rel $0x88, $3  }
0x1: {  	(tag) =	ssettag $0x0;
	lr =	simm.s32 $0x1  }
0x2: {  	[smem:$0x3F99] =	sst lr;
	_ =	strace $0xD0000000  }
0x3: {  	_ = 	snop  }
0x4: {  	_ = 	snop  }
0x5: {  	_ = 	snop  }
0x6: {  	_ = 	snop  }
0x7: {  	_ = 	snop  }
__scs_overlays_trampoline_lowered:
0x8: {  	[smem:$0x3FA8] =	sst s0  }
0x9: {  	[smem:$0x3FA9] =	sst s1  }
0xa: {  	[smem:$0x3FAA] =	sst s2  }
0xb: {  	[smem:$0x3FAB] =	sst s3  }
0xc: {  	[smem:$0x3FAC] =	sst s4  }
0xd: {  	[smem:$0x3FAD] =	sst s5  }
0xe: {  	[smem:$0x3FAE] =	sst s6  }
0xf: {  	[smem:$0x3FAF] =	sst s7  }
0x10: {  	[smem:$0x3FB0] =	sst s8  }
0x11: {  	[smem:$0x3FB1] =	sst s9;
	s0 =	simm.s32 @!p0 $0x0  }
0x12: {  	s1 =	sld [smem:$0x3F97];
	s0 =	simm.s32 @p0 $0x1  }
0x13: {  	[smem:$0x3FB2] =	sst s0;
	s0 =	simm.s32 @!p1 $0x0  }
0x14: {  	s2 =	sld [smem:$0x3F96];
	s0 =	simm.s32 @p1 $0x1  }
0x15: {  	[smem:$0x3FB3] =	sst s0;
	s0 =	simm.s32 @!p2 $0x0  }
0x16: {  	s3 =	sld [smem:$0x3FDB];
	s0 =	simm.s32 @p2 $0x1  }
0x17: {  	s4 =	simm.s32 $0x1BF5;
	[smem:$0x3FB5] =	sst s0  }
0x18: {  	s0 =	sld [smem:$0x3F98];
	_ =	swait.ge [sflag:s4], $0x0  }
0x19: {  	s7 =	sld [smem:$0x3F99]  }
0x1a: {  	s8 =	sadd.s32 $0xFFFFE003, lr  }
0x1b: {  	s9 =	sadd.s32 $0xFFFFFEF7, lr;
	s5 =	simm.s32 $0xFFFFFFFF;
	p2 =	slt.u32 s8, $0xFFFFF086  }
0x1c: {  	p1 =	slt.u32 s9, $0xF7A;
	s5 =	simm.s32 @!p2 $0x0  }
0x1d: {  	s5 =	simm.s32 @p1 $0x1;
	p0 =	seq.s32 s7, s2  }
0x1e: {  	s7 =	smul.u32 @!p0 $0xF7A, s2;
	p2 =	seq.s32 @!p0 s5, $0x0  }
0x1f: {  	s9 =	smul.u32 $0xF7A, s1;
	s8 =	simm.s32 @!p0 $0x1BF5;
	p2 =	por !p2, p0  }
0x20: {  	[sflag:s8] =	ssyncset.s32 @!p0 $0xFFFFF086;
	s6 =	sadd.s32 @!p0 s3, s7;
	s7 =	simm.s32 @!p0 $0x108  }
0x21: {  	s3 =	sadd.s32 s3, s9;
	s6 =	sadd.s32 @!p0 $0x88, s6;
	s7 =	simm.s32 @p2 $0x1082  }
0x22: {  	[simem:s7], [sflag:s8] =	dma.local @!p0 [hbm:s6], $0xF7A  }
0x23: {  	s9 =	sor.u32 $0xD0000000, s2;
	s6 =	simm.s32 $0x108;
	_ =	swait.ge @!p0 [sflag:s8], $0x0  }
0x24: {  	s3 =	sadd.s32 $0x88, s3;
	s6 =	simm.s32 @!p1 $0x1082;
	[sflag:s4] =	ssyncset.s32 $0xFFFFF086  }
0x25: {  	[simem:s6], [sflag:s4] =	dma.local [hbm:s3], $0xF7A  }
0x26: {  	[smem:$0x3F99] =	sst s1;
	(tag) =	ssettag s2;
	_ =	strace s9  }
0x27: {  	s1 =	sld [smem:$0x3FA9]  }
0x28: {  	s2 =	sld [smem:$0x3FAA]  }
0x29: {  	s4 =	sld [smem:$0x3FAC]  }
0x2a: {  	p0 =	seq.s32 s5, $0x0;
	s5 =	sld [smem:$0x3FAD]  }
0x2b: {  	s6 =	sld [smem:$0x3FAE]  }
0x2c: {  	s7 =	sld [smem:$0x3FAF]  }
0x2d: {  	s3 =	simm.s32 $0x108;
	s8 =	sld [smem:$0x3FB0]  }
0x2e: {  	s3 =	simm.s32 @!p0 $0x1082;
	s9 =	sld [smem:$0x3FB1]  }
0x2f: {  	lr =	sadd.s32 s0, s3;
	s0 =	sld [smem:$0x3FA8]  }
0x30: {  	s3 =	sld [smem:$0x3FAB]  }
0x31: {  	[smem:$0x3FB4] =	sst s10  }
0x32: {  	s10 =	sld [smem:$0x3FB2];
	_ =	sdelay $0x3  }
0x33: {  	p0 =	seq.s32 s10, $0x1;
	s10 =	sld [smem:$0x3FB4];
	_ =	sdelay $0x3  }
0x34: {  	[smem:$0x3FB4] =	sst s10  }
0x35: {  	s10 =	sld [smem:$0x3FB3];
	_ =	sdelay $0x3  }
0x36: {  	p1 =	seq.s32 s10, $0x1;
	s10 =	sld [smem:$0x3FB4];
	_ =	sdelay $0x3  }
0x37: {  	[smem:$0x3FB4] =	sst s10  }
0x38: {  	s10 =	sld [smem:$0x3FB5]  }
0x39: {  	_ = 	snop;
	(pc) =	sbr.ind lr, $3  }
0x3a: {  	_ = 	snop  }
0x3b: {  	_ = 	snop  }
0x3c: {  	p2 =	seq.s32 s10, $0x1;
	s10 =	sld [smem:$0x3FB4]  }
0x3d: {  	_ =	shalt  }
0x3e: {  	_ =	shalt  }
0x3f: {  	_ =	shalt  }
0x40: {  	_ =	shalt  }
0x41: {  	_ =	shalt  }
0x42: {  	_ =	shalt  }
0x43: {  	_ =	shalt  }
0x44: {  	_ =	shalt  }
0x45: {  	_ =	shalt  }
0x46: {  	_ =	shalt  }
0x47: {  	_ =	shalt  }
0x48: {  	_ =	shalt  }
0x49: {  	_ =	shalt  }
0x4a: {  	_ =	shalt  }
0x4b: {  	_ =	shalt  }
0x4c: {  	_ =	shalt  }
0x4d: {  	_ =	shalt  }
0x4e: {  	_ =	shalt  }
0x4f: {  	_ =	shalt  }
0x50: {  	_ =	shalt  }
0x51: {  	_ =	shalt  }
0x52: {  	_ =	shalt  }
0x53: {  	_ =	shalt  }
0x54: {  	_ =	shalt  }
0x55: {  	_ =	shalt  }
0x56: {  	_ =	shalt  }
0x57: {  	_ =	shalt  }
0x58: {  	_ =	shalt  }
0x59: {  	_ =	shalt  }
0x5a: {  	_ =	shalt  }
0x5b: {  	_ =	shalt  }
0x5c: {  	_ =	shalt  }
0x5d: {  	_ =	shalt  }
0x5e: {  	_ =	shalt  }
0x5f: {  	_ =	shalt  }
0x60: {  	_ =	shalt  }
0x61: {  	_ =	shalt  }
0x62: {  	_ =	shalt  }
0x63: {  	_ =	shalt  }
0x64: {  	_ =	shalt  }
0x65: {  	_ =	shalt  }
0x66: {  	_ =	shalt  }
0x67: {  	_ =	shalt  }
0x68: {  	_ =	shalt  }
0x69: {  	_ =	shalt  }
0x6a: {  	_ =	shalt  }
0x6b: {  	_ =	shalt  }
0x6c: {  	_ =	shalt  }
0x6d: {  	_ =	shalt  }
0x6e: {  	_ =	shalt  }
0x6f: {  	_ =	shalt  }
0x70: {  	_ =	shalt  }
0x71: {  	_ =	shalt  }
0x72: {  	_ =	shalt  }
0x73: {  	_ =	shalt  }
0x74: {  	_ =	shalt  }
0x75: {  	_ =	shalt  }
0x76: {  	_ =	shalt  }
0x77: {  	_ =	shalt  }
0x78: {  	_ =	shalt  }
0x79: {  	_ =	shalt  }
0x7a: {  	_ =	shalt  }
0x7b: {  	_ =	shalt  }
0x7c: {  	_ =	shalt  }
0x7d: {  	_ =	shalt  }
0x7e: {  	_ =	shalt  }
0x7f: {  	_ =	shalt  }
0x80: {  	_ =	shalt  }
0x81: {  	_ =	shalt  }
0x82: {  	_ =	shalt  }
0x83: {  	_ =	shalt  }
0x84: {  	_ =	shalt  }
0x85: {  	_ =	shalt  }
0x86: {  	_ =	shalt  }
0x87: {  	_ =	shalt  }
.Lfunc_end0:
.L_simem_size_0:
called_computation_lowered:
.L_overlay_start_0:
0x88: {  	s2 =	sld [smem:$0x3FD9]  }
0x89: {  	s3 =	sld [smem:$0x3FFE];
	_ =	sdelay $0x1  }
0x8a: {  	s1 =	srdreg.scid  }
0x8b: {  	s0 =	sand.u32 $0x1, s1  }
0x8c: {  	s17 =	sshll.u32 s0, $0xA;
	s2 =	sadd.s32 s3, s2  }
0x8d: {  	s2 =	sadd.s32 s2, s17  }
0x8e: {  	[smem:$0x3FC0] =	sst s2  }
0x8f: {  	_ = 	snop  }
0x90: {  	s2 =	sld [smem:$0x3FC8]  }
0x91: {  	s18 =	sld [smem:$0x3FD0];
	(tm) =	ssettm $0x1  }
0x92: {  	s4 =	sld [smem:$0x3FFB];
	_ =	sdelay $0x3  }
0x93: {  	_ =	strace s4  }
0x94: {  	s4 =	sld [smem:$0x3FFC];
	_ =	sdelay $0x3  }
0x95: {  	_ =	strace s4  }
0x96: {  	s4 =	sld [smem:$0x3FFD];
	_ =	sdelay $0x3  }
0x97: {  	_ =	strace s4  }
0x98: {  	_ =	strace $0x8FFFFFFF  }
0x99: {  	s19 =	sld [smem:$0x3FDB];
	_ =	sdelay $0x1  }
0x9a: {  	s5 =	simm.s32 $_scs_section_size  }
0x9b: {  	s6 =	simm.s32 $_size__tile_overlayer_lowered;
	s7 =	simm.s32 $_tile_overlayer_lowered  }
0x9c: {  	s22 =	simm.s32 $0x1BFF;
	s21 =	sshll.u32 s7, $0x1;
	s4 =	sadd.s32 s5, s19  }
0x9d: {  	s8 =	simm.s32 $0x0;
	s20 =	sshll.u32 s6, $0x1;
	s6 =	sadd.s32 s21, s4  }
0x9e: {  	[timem:s8], [sflag:s22] =	dma.local [hbm:s6], s20  }
0x9f: {  	_ =	swait.ge [sflag:s22], s20  }
0xa0: {  	s5 =	ssub.s32 $0x0, s20;
	[sflag:s22] =	ssyncset.done $0x0  }
0xa1: {  	[sflag:s22] =	ssyncadd.s32 s5;
	_ =	sdelay $0x1  }
0xa2: {  	s23 =	simm.s32 $0x1B8B  }
0xa3: {  	_ =	swait.ge [sflag:s23], $0x1  }
0xa4: {  	[sflag:s23] =	ssyncset.done $0x0  }
0xa5: {  	s25 =	simm.s32 $0x1B8E;
	s24 =	sld [smem:$0x3FFE];
	[sflag:s23] =	ssyncadd.s32 $0xFFFFFFFF  }
0xa6: {  	s26 =	simm.s32 $execute0_lowered;
	[smem:$0x3FD2] =	sst s25  }
0xa7: {  	s6 =	sshll.u32 s26, $0x1;
	_ =	strace $0x80000046;
	[dreg:$0x1] =	wrdreg $0xFFFFFFFF  }
0xa8: {  	s28 =	simm.s32 $_size_execute0_lowered;
	s4 =	sadd.s32 s4, s6;
	[dreg:$0x0] =	wrdreg $0x0  }
0xa9: {  	s6 =	sshll.u32 s28, $0x1;
	[dreg:$0x2] =	wrdreg s4  }
0xaa: {  	[dreg:$0x3] =	wrdreg s6  }
0xab: {  	[dreg:$0x4] =	wrdreg $0xC0  }
0xac: {  	_ =	task [dreg:s8], $0x5FFFF  }
0xad: {  	[dreg:$0x1] =	wrdreg $0xFFFFFFFF  }
0xae: {  	[dreg:$0x0] =	wrdreg $0x60  }
0xaf: {  	[dreg:$0x2] =	wrdreg s24  }
0xb0: {  	[dreg:$0x3] =	wrdreg s2  }
0xb1: {  	[dreg:$0x4] =	wrdreg s18  }
0xb2: {  	[dreg:$0x5] =	wrdreg $0x9  }
0xb3: {  	_ =	task.clear_ibuf [dreg:s8], $0x6FFFF;
	_ =	strace $0x90000046  }
0xb4: {  	s29 =	simm.s32 $0x9;
	_ =	strace $0x80000048  }
0xb5: {  	_ =	swait.ge [sflag:s29], $0x1  }
0xb6: {  	[sflag:s29] =	ssyncadd.s32 $0xFFFFFFFF  }
0xb7: {  	_ =	strace $0x90000048  }
0xb8: {  	_ =	sfence  }
0xb9: {  	s30 =	sld [smem:$0x0];
	_ =	sdelay $0x2  }
0xba: {  	s31 =	sshll.u32 s1, $0xD;
	s1 =	sshrl.u32 s1, $0x2  }
0xbb: {  	s3 =	sand.u32 $0x4000, s31;
	s1 =	sadd.s32 s1, s30  }
0xbc: {  	s0 =	sor.u32 s3, s0;
	s1 =	sshll.u32 s1, $0x11  }
0xbd: {  	s0 =	sor.u32 s1, s0  }
0xbe: {  	s0 =	sadd.s32 $0x8F2B, s0  }
0xbf: {  	[sflag:s0] =	ssyncadd.remote.s32 $0x1  }
0xc0: {  	_ =	sfence.sel $0xFFFF  }
0xc1: {  	[dreg:$0x0] =	wrdreg $0xFFFFFFFF;
	(pc) =	sbr.abs _section_cstart, $3  }
0xc2: {  	[dreg:$0x1] =	wrdreg $0xFFFFFFFF  }
0xc3: {  	_ =	task.clear_ibuf [dreg:s8], $0x2FFFF;
	_ =	strace $0x9FFFFFFF  }
0xc4: {  	(tm) =	ssettm $0x7FFFFFFF  }
0xc5: {  	_ =	shalt  }
tec
execute0_lowered:
.L_overlay_start_1:
0x0: {  	(tag) =	ssettag $0x1  }
0x1: {  	s5 =	rddreg [dreg:$0x0]  }
0x2: {  	s6 =	rddreg [dreg:$0x1]  }
0x3: {  	s7 =	rddreg [dreg:$0x2]  }
0x4: {  	s0 =	rddreg [dreg:$0x3];
	s3 =	srdreg.scid  }
0x5: {  	s1 =	stileid.u32;
	s2 =	simm.s32 $0x0;
	s13 =	simm.s32 $0x9F00  }
0x6: {  	s14 =	simm.s32 $0x2;
	s15 =	simm.s32 $0x0;
	s8 =	sand.u32 $0x1, s3  }
0x7: {  	s30 =	sshll.u32 s1, $0x1;
	[smem:$0x7FF] =	sst s2;
	s3 =	sadd.s32 $0x1000, s5  }
0x8: {  	s4 =	sadd.s32 $0x1600, s5;
	s5 =	sadd.s32 $0xC00, s5;
	s9 =	sor.u32 s8, s30  }
0x9: {  	_ =	strace $0x80000047;
	s8 =	ssub.s32 $0x2, s8;
	s10 =	smul.u32 $0x13, s9  }
.Ltmp0:
0xa: {  	s11 =	smin.u32 s9, $0x11;
	s31 =	sshrl.u32 s8, $0x1;
	(pc) =	sbr.rel .LBB2_1-.Ltmp0, $4  }
0xb: {  	p0 =	sgt.u32 s9, $0x10;
	s8 =	ssub.s32 s8, s31;
	s10 =	sadd.s32 s11, s10  }
0xc: {  	s9 =	simm.s32 $0x2780;
	s8 =	smax.u32 s8, $0x1;
	s12 =	sshll.u32 s10, $0x7  }
0xd: {  	s11 =	simm.s32 $0x4F00;
	s10 =	sshll.u32 s10, $0x6;
	s6 =	sadd.s32 s6, s12  }
0xe: {  	s7 =	sadd.s32 s7, s10;
	s10 =	simm.s32 $0xC700;
	s12 =	simm.s32 $0x1  }
.LBB2_7:
0xf: {  	v11 =	vadd.f32 v11, v0;
	v13 =	vmul.f32 v13, v1;
	v3 =	vsub.f32 v3, v5  }
0x10: {  	v12 =	vadd.f32 v12, v2;
	v4 =	vsub.f32 v4, v7;
	v56 =	vand.u32 $0x7FFFFFFF, v10  }
0x11: {  	v6 =	vsub.f32 v6, v8;
	v7 =	vmul.f32 v56, v1;
	v3 =	vadd.f32 v3, v2  }
0x12: {  	v55 =	vadd.f32 v13, v0;
	v57 =	vand.u32 $0x7FFFFFFF, v12;
	v4 =	vadd.f32 v4, v2  }
0x13: {  	[tilespmem:s16+$0xFFFFFFF0] =	vst v9;
	v58 =	vadd.f32 v6, v2;
	v8 =	vmul.f32 v57, v1;
	v3 =	vand.u32 $0x7FFFFFFF, v3  }
0x14: {  	[tilespmem:s16+$0x0] =	vst v11;
	v59 =	vadd.f32 v7, v0;
	v4 =	vand.u32 $0x7FFFFFFF, v4;
	v3 =	vmul.f32 v3, v1  }
0x15: {  	[tilespmem:s16+$0x10] =	vst v55;
	v2 =	vand.u32 $0x7FFFFFFF, v58;
	v60 =	vadd.f32 v8, v0;
	v4 =	vmul.f32 v4, v1  }
0x16: {  	[tilespmem:s16+$0x20] =	vst v59;
	v61 =	vmul.f32 v2, v1;
	v3 =	vadd.f32 v3, v0  }
0x17: {  	[tilespmem:s16+$0x30] =	vst v60;
	v62 =	vadd.f32 v4, v0  }
0x18: {  	v63 =	vadd.f32 v61, v0;
	[tilespmem:s16+$0x40] =	vst v3  }
0x19: {  	[tilespmem:s16+$0x50] =	vst v62  }
0x1a: {  	[tilespmem:s16+$0x60] =	vst v63  }
0x1b: {  	[hbm4b:s7+s2] =	stream.linear.scatter [tilespmem:s13], [sflag:$0x2], $0x2600, $0x38;
	[tilespmem:$0xC780] =	vst v63  }
0x1c: {  	_ =	swait.ge [sflag:s14], $0x2600  }
0x1d: {  	[sflag:s14] =	ssyncset.done $0x0  }
0x1e: {  	[sflag:s14] =	ssyncadd.s32 $0xFFFFDA00  }
.LBB2_8:
0x1f: {  	s15 =	sadd.s32 $0x1, s15  }
0x20: {  	p1 =	sne.s32 s15, s8  }
.Ltmp1:
0x21: {  	_ = 	snop;
	(pc) =	sbr.rel @!p1 .LBB2_9-.Ltmp1, $1  }
0x22: {  	_ =	sdelay $0x3  }
.LBB2_1:
0x23: {  	[tilespmem:s2], [sflag:$0x1] =	stream.linear.gather [hbm4b:s3+s2], $0x2780, $0x38;
	[tilespmem:$0xC780] =	vst v63  }
.Ltmp2:
0x24: {  	_ = 	snop;
	(pc) =	sbr.rel @p0 .LBB2_5-.Ltmp2, $4  }
0x25: {  	_ = 	snop  }
0x26: {  	[tilespmem:s9], [sflag:$0x1] =	stream.linear.gather [hbm4b:s4+s2], $0x2780, $0x38;
	[tilespmem:$0xC780] =	vst v63  }
0x27: {  	_ = 	snop  }
0x28: {  	[tilespmem:s10], [sflag:$0x1] =	stream.linear.gather [hbm4b:s5+s2], $0x80, $0x38;
	[tilespmem:$0xC780] =	vst v63  }
0x29: {  	[tilespmem:s11], [sflag:$0x1] =	stream.linear.gather [hbm4b:s6+s2], $0x5000, $0x38;
	[tilespmem:$0xC780] =	vst v63  }
0x2a: {  	_ =	swait.ge [sflag:s12], $0x2780  }
0x2b: {  	[sflag:s12] =	ssyncset.done $0x0  }
0x2c: {  	[sflag:s12] =	ssyncadd.s32 $0xFFFFD880  }
0x2d: {  	_ =	swait.ge [sflag:s12], $0x2780  }
0x2e: {  	[sflag:s12] =	ssyncset.done $0x0  }
0x2f: {  	[sflag:s12] =	ssyncadd.s32 $0xFFFFD880  }
0x30: {  	_ =	swait.ge [sflag:s12], $0x80  }
0x31: {  	[sflag:s12] =	ssyncset.done $0x0  }
0x32: {  	[sflag:s12] =	ssyncadd.s32 $0xFFFFFF80  }
0x33: {  	_ =	swait.ge [sflag:s12], $0x5000  }
0x34: {  	[sflag:s12] =	ssyncset.done $0x0  }
0x35: {  	[sflag:s12] =	ssyncadd.s32 $0xFFFFB000  }
0x36: {  	v1 =	vld [tilespmem:$0xC700]  }
0x37: {  	v0 =	vld [tilespmem:$0xC710]  }
0x38: {  	s16 =	simm.s32 $0x5000;
	v2 =	vld [tilespmem:$0xC720]  }
0x39: {  	v3 =	vld [tilespmem:s16+$0xF0]  }
0x3a: {  	v4 =	vld [tilespmem:s16+$0x70]  }
0x3b: {  	v5 =	vld [tilespmem:s16+$0xFFFFFF00]  }
0x3c: {  	v6 =	vld [tilespmem:s16+$0xFFFFFF90]  }
0x3d: {  	v7 =	vld [tilespmem:s16+$0xFFFFFF10]  }
0x3e: {  	v8 =	vld [tilespmem:s16+$0xFFFFFFA0]  }
0x3f: {  	v9 =	vld [tilespmem:s16+$0xFFFFFF20]  }
0x40: {  	v10 =	vld [tilespmem:s16+$0xFFFFFFB0]  }
0x41: {  	v11 =	vld [tilespmem:s16+$0xFFFFFF30]  }
0x42: {  	v12 =	vld [tilespmem:s16+$0xFFFFFFC0]  }
0x43: {  	v13 =	vld [tilespmem:s16+$0xFFFFFF40]  }
0x44: {  	v14 =	vld [tilespmem:s16+$0xFFFFFFD0]  }
0x45: {  	v15 =	vld [tilespmem:s16+$0xFFFFFF50]  }
0x46: {  	v16 =	vld [tilespmem:s16+$0xFFFFFFE0]  }
0x47: {  	v17 =	vld [tilespmem:s16+$0xFFFFFF60]  }
0x48: {  	v18 =	vld [tilespmem:s16+$0xFFFFFFF0]  }
0x49: {  	v19 =	vld [tilespmem:s16+$0xFFFFFF70]  }
0x4a: {  	v20 =	vld [tilespmem:s16+$0x80]  }
0x4b: {  	v21 =	vld [tilespmem:s16+$0x0]  }
0x4c: {  	v22 =	vld [tilespmem:s16+$0x90]  }
0x4d: {  	v23 =	vld [tilespmem:s16+$0x10]  }
0x4e: {  	v24 =	vld [tilespmem:s16+$0xA0]  }
0x4f: {  	v25 =	vld [tilespmem:s16+$0x20]  }
0x50: {  	v26 =	vld [tilespmem:s16+$0xB0]  }
0x51: {  	v27 =	vld [tilespmem:s16+$0x30]  }
0x52: {  	v28 =	vld [tilespmem:s16+$0xC0]  }
0x53: {  	v29 =	vld [tilespmem:s16+$0x40]  }
0x54: {  	v30 =	vld [tilespmem:s16+$0xD0]  }
0x55: {  	v31 =	vld [tilespmem:s16+$0x50]  }
0x56: {  	v32 =	vld [tilespmem:s16+$0xE0]  }
0x57: {  	v34 =	vld [tilespmem:s16+$0xFFFFFF80]  }
0x58: {  	v3 =	vld.idx.msk [tilespmem:v3+s2+$0x0], $0xffff  }
0x59: {  	v4 =	vld.idx.msk [tilespmem:v4+s9+$0x0], $0xffff  }
0x5a: {  	v5 =	vld.idx.msk [tilespmem:v5+s9+$0x0], $0xffff  }
0x5b: {  	v6 =	vld.idx.msk [tilespmem:v6+s2+$0x0], $0xffff  }
0x5c: {  	v7 =	vld.idx.msk [tilespmem:v7+s9+$0x0], $0xffff  }
0x5d: {  	v8 =	vld.idx.msk [tilespmem:v8+s2+$0x0], $0xffff  }
0x5e: {  	v9 =	vld.idx.msk [tilespmem:v9+s9+$0x0], $0xffff  }
0x5f: {  	v10 =	vld.idx.msk [tilespmem:v10+s2+$0x0], $0xffff  }
0x60: {  	v34 =	vld.idx.msk [tilespmem:v34+s2+$0x0], $0xffff  }
0x61: {  	v11 =	vld.idx.msk [tilespmem:v11+s9+$0x0], $0xffff  }
0x62: {  	v3 =	vsub.f32 v3, v4;
	v4 =	vld.idx.msk [tilespmem:v12+s2+$0x0], $0xffff  }
0x63: {  	v12 =	vld.idx.msk [tilespmem:v13+s9+$0x0], $0xffff  }
0x64: {  	v6 =	vsub.f32 v6, v7;
	v7 =	vld.idx.msk [tilespmem:v14+s2+$0x0], $0xffff  }
0x65: {  	v13 =	vld.idx.msk [tilespmem:v15+s9+$0x0], $0xffff;
	v8 =	vsub.f32 v8, v9;
	v5 =	vsub.f32 v34, v5  }
0x66: {  	v9 =	vld.idx.msk [tilespmem:v16+s2+$0x0], $0xffff;
	v10 =	vsub.f32 v10, v11;
	v3 =	vadd.f32 v3, v2  }
0x67: {  	v14 =	vld.idx.msk [tilespmem:v17+s9+$0x0], $0xffff;
	v6 =	vadd.f32 v6, v2;
	v8 =	vadd.f32 v8, v2  }
0x68: {  	v33 =	vld [tilespmem:s16+$0x60];
	v5 =	vadd.f32 v5, v2;
	v10 =	vadd.f32 v10, v2  }
0x69: {  	v61 =	vld.idx.msk [tilespmem:v21+s9+$0x0], $0xffff;
	v3 =	vand.u32 $0x7FFFFFFF, v3;
	v6 =	vand.u32 $0x7FFFFFFF, v6;
	v8 =	vand.u32 $0x7FFFFFFF, v8  }
0x6a: {  	v11 =	vld.idx.msk [tilespmem:v18+s2+$0x0], $0xffff;
	v5 =	vand.u32 $0x7FFFFFFF, v5;
	v3 =	vmul.f32 v3, v1;
	v6 =	vmul.f32 v6, v1  }
0x6b: {  	v15 =	vld.idx.msk [tilespmem:v19+s9+$0x0], $0xffff;
	v4 =	vsub.f32 v4, v12;
	v8 =	vmul.f32 v8, v1;
	v7 =	vsub.f32 v7, v13  }
0x6c: {  	v12 =	vld.idx.msk [tilespmem:v20+s2+$0x0], $0xffff;
	v5 =	vmul.f32 v5, v1;
	v9 =	vsub.f32 v9, v14;
	v3 =	vadd.f32 v3, v0  }
0x6d: {  	s16 =	simm.s32 $0x9F80;
	v13 =	vld.idx.msk [tilespmem:v22+s2+$0x0], $0xffff;
	v6 =	vadd.f32 v6, v0;
	v4 =	vadd.f32 v4, v2  }
0x6e: {  	v14 =	vld.idx.msk [tilespmem:v24+s2+$0x0], $0xffff;
	v8 =	vadd.f32 v8, v0;
	v5 =	vadd.f32 v5, v0;
	[tilespmem:s16+$0x70] =	vst v3;
	v3 =	vand.u32 $0x7FFFFFFF, v10  }
0x6f: {  	v10 =	vld.idx.msk [tilespmem:v23+s9+$0x0], $0xffff;
	[tilespmem:s16+$0xFFFFFF90] =	vst v6;
	v6 =	vadd.f32 v9, v2;
	v3 =	vmul.f32 v3, v1  }
0x70: {  	v7 =	vadd.f32 v7, v2;
	v4 =	vand.u32 $0x7FFFFFFF, v4;
	v9 =	vsub.f32 v11, v15;
	v11 =	vld.idx.msk [tilespmem:v25+s9+$0x0], $0xffff;
	[tilespmem:s16+$0xFFFFFFA0] =	vst v8  }
0x71: {  	v8 =	vld.idx.msk [tilespmem:v26+s2+$0x0], $0xffff;
	[tilespmem:s16+$0xFFFFFF80] =	vst v5;
	v5 =	vand.u32 $0x7FFFFFFF, v6;
	v15 =	vadd.f32 v3, v0;
	v3 =	vmul.f32 v4, v1  }
0x72: {  	v6 =	vadd.f32 v9, v2;
	v4 =	vand.u32 $0x7FFFFFFF, v7;
	v7 =	vsub.f32 v12, v61;
	v12 =	vld.idx.msk [tilespmem:v27+s9+$0x0], $0xffff  }
0x73: {  	v62 =	vmul.f32 v5, v1;
	v5 =	vld.idx.msk [tilespmem:v29+s9+$0x0], $0xffff;
	v4 =	vmul.f32 v4, v1;
	v9 =	vadd.f32 v3, v0  }
0x74: {  	v6 =	vand.u32 $0x7FFFFFFF, v6;
	v3 =	vld.idx.msk [tilespmem:v28+s2+$0x0], $0xffff;
	[tilespmem:s16+$0xFFFFFFB0] =	vst v15;
	v7 =	vadd.f32 v7, v2;
	v10 =	vsub.f32 v13, v10  }
0x75: {  	v15 =	vadd.f32 v62, v0;
	v6 =	vmul.f32 v6, v1;
	v13 =	vadd.f32 v4, v0;
	v4 =	vld.idx.msk [tilespmem:v30+s2+$0x0], $0xffff  }
0x76: {  	v14 =	vsub.f32 v14, v11;
	[tilespmem:s16+$0xFFFFFFC0] =	vst v9;
	v63 =	vand.u32 $0x7FFFFFFF, v7;
	v10 =	vadd.f32 v10, v2;
	v7 =	vld.idx.msk [tilespmem:v31+s9+$0x0], $0xffff  }
0x77: {  	v9 =	vadd.f32 v6, v0;
	v6 =	vld.idx.msk [tilespmem:v32+s2+$0x0], $0xffff;
	[tilespmem:s16+$0xFFFFFFE0] =	vst v15;
	v11 =	vmul.f32 v63, v1  }
0x78: {  	s17 =	simm.s32 $0x0;
	s18 =	simm.s32 $0x5200;
	[tilespmem:s16+$0xFFFFFFD0] =	vst v13;
	v12 =	vsub.f32 v8, v12;
	v8 =	vld.idx.msk [tilespmem:v33+s9+$0x0], $0xffff;
	v13 =	vand.u32 $0x7FFFFFFF, v10;
	v10 =	vadd.f32 v14, v2  }
.LBB2_3:
0x79: {  	v14 =	vld [tilespmem:s18+$0xF0];
	[tilespmem:s16+$0xFFFFFFF0] =	vst v9;
	v9 =	vadd.f32 v11, v0;
	v11 =	vmul.f32 v13, v1  }
0x7a: {  	s17 =	sadd.s32 $0x100, s17;
	v3 =	vsub.f32 v3, v5;
	v13 =	vld [tilespmem:s18+$0x70];
	v10 =	vand.u32 $0x7FFFFFFF, v10;
	v12 =	vadd.f32 v12, v2  }
0x7b: {  	p1 =	slt.u32 s17, $0x2700;
	v5 =	vld [tilespmem:s18+$0xFFFFFF00];
	[tilespmem:s16+$0x0] =	vst v9;
	v9 =	vadd.f32 v11, v0;
	v10 =	vmul.f32 v10, v1  }
0x7c: {  	v3 =	vadd.f32 v3, v2;
	v4 =	vsub.f32 v4, v7;
	v11 =	vld [tilespmem:s18+$0xFFFFFF90];
	v12 =	vand.u32 $0x7FFFFFFF, v12  }
0x7d: {  	v7 =	vld [tilespmem:s18+$0xFFFFFF10];
	[tilespmem:s16+$0x10] =	vst v9;
	v9 =	vadd.f32 v10, v0;
	v10 =	vmul.f32 v12, v1  }
0x7e: {  	v3 =	vand.u32 $0x7FFFFFFF, v3;
	v4 =	vadd.f32 v4, v2;
	v6 =	vsub.f32 v6, v8;
	v12 =	vld [tilespmem:s18+$0xFFFFFFA0]  }
0x7f: {  	v3 =	vmul.f32 v3, v1;
	v8 =	vld [tilespmem:s18+$0xFFFFFF20];
	[tilespmem:s16+$0x20] =	vst v9;
	v9 =	vadd.f32 v10, v0  }
0x80: {  	v4 =	vand.u32 $0x7FFFFFFF, v4;
	v6 =	vadd.f32 v6, v2;
	v10 =	vld [tilespmem:s18+$0xFFFFFFB0]  }
0x81: {  	v3 =	vadd.f32 v3, v0;
	v4 =	vmul.f32 v4, v1;
	v14 =	vld.idx.msk [tilespmem:v14+s2+$0x0], $0xffff;
	[tilespmem:s16+$0x30] =	vst v9  }
0x82: {  	v6 =	vand.u32 $0x7FFFFFFF, v6;
	v9 =	vld.idx.msk [tilespmem:v13+s9+$0x0], $0xffff  }
0x83: {  	v13 =	vld [tilespmem:s18+$0xFFFFFF30];
	[tilespmem:s16+$0x40] =	vst v3;
	v3 =	vadd.f32 v4, v0;
	v4 =	vmul.f32 v6, v1  }
0x84: {  	v6 =	vld [tilespmem:s18+$0xFFFFFFC0]  }
0x85: {  	v15 =	vld [tilespmem:s18+$0xFFFFFF40];
	[tilespmem:s16+$0x50] =	vst v3;
	v3 =	vadd.f32 v4, v0  }
0x86: {  	v4 =	vld [tilespmem:s18+$0xFFFFFFD0]  }
0x87: {  	v16 =	vld [tilespmem:s18+$0xFFFFFF50];
	[tilespmem:s16+$0x60] =	vst v3  }
0x88: {  	v9 =	vsub.f32 v14, v9;
	v3 =	vld [tilespmem:s18+$0xFFFFFFE0]  }
0x89: {  	v14 =	vld [tilespmem:s18+$0xFFFFFF60]  }
0x8a: {  	v9 =	vadd.f32 v9, v2;
	v17 =	vld [tilespmem:s18+$0xFFFFFFF0]  }
0x8b: {  	v18 =	vld [tilespmem:s18+$0xFFFFFF70]  }
0x8c: {  	v9 =	vand.u32 $0x7FFFFFFF, v9;
	v19 =	vld [tilespmem:s18+$0x80]  }
0x8d: {  	v9 =	vmul.f32 v9, v1;
	v20 =	vld [tilespmem:s18+$0x0]  }
0x8e: {  	v21 =	vld [tilespmem:s18+$0x90]  }
0x8f: {  	v9 =	vadd.f32 v9, v0;
	v22 =	vld [tilespmem:s18+$0x10]  }
0x90: {  	s16 =	sadd.s32 $0x100, s16;
	v23 =	vld [tilespmem:s18+$0xA0]  }
0x91: {  	v24 =	vld [tilespmem:s18+$0x20];
	[tilespmem:s16+$0x70] =	vst v9  }
0x92: {  	v9 =	vld [tilespmem:s18+$0xB0]  }
0x93: {  	v25 =	vld [tilespmem:s18+$0x30]  }
0x94: {  	v26 =	vld [tilespmem:s18+$0xC0]  }
0x95: {  	v27 =	vld [tilespmem:s18+$0x40]  }
0x96: {  	v28 =	vld [tilespmem:s18+$0xD0]  }
0x97: {  	v29 =	vld [tilespmem:s18+$0x50]  }
0x98: {  	v30 =	vld [tilespmem:s18+$0xE0]  }
0x99: {  	v31 =	vld [tilespmem:s18+$0x60]  }
0x9a: {  	v32 =	vld [tilespmem:s18+$0xFFFFFF80]  }
0x9b: {  	v5 =	vld.idx.msk [tilespmem:v5+s9+$0x0], $0xffff  }
0x9c: {  	v11 =	vld.idx.msk [tilespmem:v11+s2+$0x0], $0xffff  }
0x9d: {  	v7 =	vld.idx.msk [tilespmem:v7+s9+$0x0], $0xffff  }
0x9e: {  	v12 =	vld.idx.msk [tilespmem:v12+s2+$0x0], $0xffff  }
0x9f: {  	v8 =	vld.idx.msk [tilespmem:v8+s9+$0x0], $0xffff  }
0xa0: {  	v10 =	vld.idx.msk [tilespmem:v10+s2+$0x0], $0xffff  }
0xa1: {  	v13 =	vld.idx.msk [tilespmem:v13+s9+$0x0], $0xffff  }
0xa2: {  	v32 =	vld.idx.msk [tilespmem:v32+s2+$0x0], $0xffff  }
0xa3: {  	v7 =	vsub.f32 v11, v7;
	v6 =	vld.idx.msk [tilespmem:v6+s2+$0x0], $0xffff  }
0xa4: {  	v11 =	vld.idx.msk [tilespmem:v15+s9+$0x0], $0xffff  }
0xa5: {  	v7 =	vadd.f32 v7, v2;
	v8 =	vsub.f32 v12, v8;
	v4 =	vld.idx.msk [tilespmem:v4+s2+$0x0], $0xffff  }
0xa6: {  	v12 =	vld.idx.msk [tilespmem:v16+s9+$0x0], $0xffff  }
0xa7: {  	v7 =	vand.u32 $0x7FFFFFFF, v7;
	v8 =	vadd.f32 v8, v2;
	v10 =	vsub.f32 v10, v13;
	v3 =	vld.idx.msk [tilespmem:v3+s2+$0x0], $0xffff  }
0xa8: {  	v5 =	vsub.f32 v32, v5;
	v7 =	vmul.f32 v7, v1;
	v13 =	vld.idx.msk [tilespmem:v14+s9+$0x0], $0xffff  }
0xa9: {  	v8 =	vand.u32 $0x7FFFFFFF, v8;
	v10 =	vadd.f32 v10, v2;
	v14 =	vld.idx.msk [tilespmem:v17+s2+$0x0], $0xffff  }
0xaa: {  	v5 =	vadd.f32 v5, v2;
	v8 =	vmul.f32 v8, v1;
	v6 =	vsub.f32 v6, v11;
	v11 =	vld.idx.msk [tilespmem:v18+s9+$0x0], $0xffff  }
0xab: {  	v7 =	vadd.f32 v7, v0;
	v10 =	vand.u32 $0x7FFFFFFF, v10;
	v15 =	vld.idx.msk [tilespmem:v19+s2+$0x0], $0xffff  }
0xac: {  	v5 =	vand.u32 $0x7FFFFFFF, v5;
	v6 =	vadd.f32 v6, v2;
	v4 =	vsub.f32 v4, v12;
	v12 =	vld.idx.msk [tilespmem:v20+s9+$0x0], $0xffff  }
0xad: {  	v8 =	vadd.f32 v8, v0;
	v10 =	vmul.f32 v10, v1;
	v5 =	vmul.f32 v5, v1;
	v16 =	vld.idx.msk [tilespmem:v21+s2+$0x0], $0xffff  }
0xae: {  	v6 =	vand.u32 $0x7FFFFFFF, v6;
	v4 =	vadd.f32 v4, v2;
	v3 =	vsub.f32 v3, v13;
	[tilespmem:s16+$0xFFFFFF90] =	vst v7;
	v7 =	vld.idx.msk [tilespmem:v22+s9+$0x0], $0xffff  }
0xaf: {  	v10 =	vadd.f32 v10, v0;
	v5 =	vadd.f32 v5, v0;
	v6 =	vmul.f32 v6, v1;
	v13 =	vld.idx.msk [tilespmem:v23+s2+$0x0], $0xffff  }
0xb0: {  	v4 =	vand.u32 $0x7FFFFFFF, v4;
	v3 =	vadd.f32 v3, v2;
	[tilespmem:s16+$0xFFFFFFA0] =	vst v8;
	v8 =	vsub.f32 v14, v11;
	v11 =	vld.idx.msk [tilespmem:v24+s9+$0x0], $0xffff  }
0xb1: {  	v4 =	vmul.f32 v4, v1;
	[tilespmem:s16+$0xFFFFFF80] =	vst v5;
	v5 =	vadd.f32 v6, v0;
	v14 =	vld.idx.msk [tilespmem:v9+s2+$0x0], $0xffff  }
0xb2: {  	v3 =	vand.u32 $0x7FFFFFFF, v3;
	[tilespmem:s16+$0xFFFFFFB0] =	vst v10;
	v6 =	vadd.f32 v8, v2;
	v8 =	vsub.f32 v15, v12;
	v12 =	vld.idx.msk [tilespmem:v25+s9+$0x0], $0xffff  }
0xb3: {  	v4 =	vadd.f32 v4, v0;
	v9 =	vmul.f32 v3, v1;
	[tilespmem:s16+$0xFFFFFFC0] =	vst v5;
	v3 =	vld.idx.msk [tilespmem:v26+s2+$0x0], $0xffff  }
.Ltmp3:
0xb4: {  	v7 =	vsub.f32 v16, v7;
	v6 =	vand.u32 $0x7FFFFFFF, v6;
	v8 =	vadd.f32 v8, v2;
	v5 =	vld.idx.msk [tilespmem:v27+s9+$0x0], $0xffff;
	(pc) =	sbr.rel @p1 .LBB2_3-.Ltmp3, $4  }
0xb5: {  	v9 =	vadd.f32 v9, v0;
	[tilespmem:s16+$0xFFFFFFD0] =	vst v4;
	v6 =	vmul.f32 v6, v1;
	v4 =	vld.idx.msk [tilespmem:v28+s2+$0x0], $0xffff  }
0xb6: {  	v10 =	vadd.f32 v7, v2;
	v15 =	vsub.f32 v13, v11;
	v8 =	vand.u32 $0x7FFFFFFF, v8;
	v7 =	vld.idx.msk [tilespmem:v29+s9+$0x0], $0xffff  }
0xb7: {  	[tilespmem:s16+$0xFFFFFFE0] =	vst v9;
	v9 =	vadd.f32 v6, v0;
	v11 =	vmul.f32 v8, v1;
	v6 =	vld.idx.msk [tilespmem:v30+s2+$0x0], $0xffff  }
0xb8: {  	s18 =	sadd.s32 $0x200, s18;
	v13 =	vand.u32 $0x7FFFFFFF, v10;
	v10 =	vadd.f32 v15, v2;
	v12 =	vsub.f32 v14, v12;
	v8 =	vld.idx.msk [tilespmem:v31+s9+$0x0], $0xffff  }
0xb9: {  	_ = 	snop  }
0xba: {  	v11 =	vadd.f32 v11, v0;
	v13 =	vmul.f32 v13, v1  }
0xbb: {  	v3 =	vsub.f32 v3, v5;
	v12 =	vadd.f32 v12, v2  }
0xbc: {  	v55 =	vadd.f32 v13, v0;
	v4 =	vsub.f32 v4, v7  }
0xbd: {  	v56 =	vand.u32 $0x7FFFFFFF, v10;
	v3 =	vadd.f32 v3, v2;
	v6 =	vsub.f32 v6, v8  }
0xbe: {  	v7 =	vmul.f32 v56, v1;
	v57 =	vand.u32 $0x7FFFFFFF, v12;
	v4 =	vadd.f32 v4, v2  }
0xbf: {  	[tilespmem:s16+$0xFFFFFFF0] =	vst v9;
	v8 =	vmul.f32 v57, v1;
	v3 =	vand.u32 $0x7FFFFFFF, v3;
	v58 =	vadd.f32 v6, v2  }
0xc0: {  	[tilespmem:s16+$0x0] =	vst v11;
	v59 =	vadd.f32 v7, v0;
	v3 =	vmul.f32 v3, v1;
	v4 =	vand.u32 $0x7FFFFFFF, v4  }
0xc1: {  	[tilespmem:s16+$0x10] =	vst v55;
	v60 =	vadd.f32 v8, v0;
	v4 =	vmul.f32 v4, v1;
	v2 =	vand.u32 $0x7FFFFFFF, v58  }
0xc2: {  	[tilespmem:s16+$0x20] =	vst v59;
	v3 =	vadd.f32 v3, v0;
	v61 =	vmul.f32 v2, v1  }
0xc3: {  	[tilespmem:s16+$0x30] =	vst v60;
	v62 =	vadd.f32 v4, v0  }
0xc4: {  	[tilespmem:s16+$0x40] =	vst v3;
	v63 =	vadd.f32 v61, v0  }
0xc5: {  	[tilespmem:s16+$0x50] =	vst v62  }
.Ltmp4:
0xc6: {  	[tilespmem:s16+$0x60] =	vst v63;
	(pc) =	sbr.rel .LBB2_8-.Ltmp4, $4  }
0xc7: {  	[hbm4b:s7+s2] =	stream.linear.scatter [tilespmem:s13], [sflag:$0x2], $0x2800, $0x38;
	[tilespmem:$0xC780] =	vst v63  }
0xc8: {  	_ =	swait.ge [sflag:s14], $0x2800  }
0xc9: {  	[sflag:s14] =	ssyncset.done $0x0  }
0xca: {  	[sflag:s14] =	ssyncadd.s32 $0xFFFFD800  }
.LBB2_5:
0xcb: {  	[tilespmem:s11], [sflag:$0x1] =	stream.linear.gather [hbm4b:s6+s2], $0x4C00, $0x38;
	[tilespmem:$0xC780] =	vst v63  }
0xcc: {  	_ =	swait.ge [sflag:s12], $0x2780  }
0xcd: {  	[sflag:s12] =	ssyncset.done $0x0  }
0xce: {  	[sflag:s12] =	ssyncadd.s32 $0xFFFFD880  }
0xcf: {  	_ =	swait.ge [sflag:s12], $0x2780  }
0xd0: {  	[sflag:s12] =	ssyncset.done $0x0  }
0xd1: {  	[sflag:s12] =	ssyncadd.s32 $0xFFFFD880  }
0xd2: {  	_ =	swait.ge [sflag:s12], $0x80  }
0xd3: {  	[sflag:s12] =	ssyncset.done $0x0  }
0xd4: {  	[sflag:s12] =	ssyncadd.s32 $0xFFFFFF80  }
0xd5: {  	_ =	swait.ge [sflag:s12], $0x4C00  }
0xd6: {  	[sflag:s12] =	ssyncset.done $0x0  }
0xd7: {  	[sflag:s12] =	ssyncadd.s32 $0xFFFFB400  }
0xd8: {  	v1 =	vld [tilespmem:$0xC700]  }
0xd9: {  	v0 =	vld [tilespmem:$0xC710]  }
0xda: {  	s16 =	simm.s32 $0x5000;
	v2 =	vld [tilespmem:$0xC720]  }
0xdb: {  	v3 =	vld [tilespmem:s16+$0xF0]  }
0xdc: {  	v4 =	vld [tilespmem:s16+$0x70]  }
0xdd: {  	v5 =	vld [tilespmem:s16+$0xFFFFFF00]  }
0xde: {  	v6 =	vld [tilespmem:s16+$0xFFFFFF90]  }
0xdf: {  	v7 =	vld [tilespmem:s16+$0xFFFFFF10]  }
0xe0: {  	v8 =	vld [tilespmem:s16+$0xFFFFFFA0]  }
0xe1: {  	v9 =	vld [tilespmem:s16+$0xFFFFFF20]  }
0xe2: {  	v10 =	vld [tilespmem:s16+$0xFFFFFFB0]  }
0xe3: {  	v11 =	vld [tilespmem:s16+$0xFFFFFF30]  }
0xe4: {  	v12 =	vld [tilespmem:s16+$0xFFFFFFC0]  }
0xe5: {  	v13 =	vld [tilespmem:s16+$0xFFFFFF40]  }
0xe6: {  	v14 =	vld [tilespmem:s16+$0xFFFFFFD0]  }
0xe7: {  	v15 =	vld [tilespmem:s16+$0xFFFFFF50]  }
0xe8: {  	v16 =	vld [tilespmem:s16+$0xFFFFFFE0]  }
0xe9: {  	v17 =	vld [tilespmem:s16+$0xFFFFFF60]  }
0xea: {  	v18 =	vld [tilespmem:s16+$0xFFFFFFF0]  }
0xeb: {  	v19 =	vld [tilespmem:s16+$0xFFFFFF70]  }
0xec: {  	v20 =	vld [tilespmem:s16+$0x80]  }
0xed: {  	v21 =	vld [tilespmem:s16+$0x0]  }
0xee: {  	v22 =	vld [tilespmem:s16+$0x90]  }
0xef: {  	v23 =	vld [tilespmem:s16+$0x10]  }
0xf0: {  	v24 =	vld [tilespmem:s16+$0xA0]  }
0xf1: {  	v25 =	vld [tilespmem:s16+$0x20]  }
0xf2: {  	v26 =	vld [tilespmem:s16+$0xB0]  }
0xf3: {  	v27 =	vld [tilespmem:s16+$0x30]  }
0xf4: {  	v28 =	vld [tilespmem:s16+$0xC0]  }
0xf5: {  	v29 =	vld [tilespmem:s16+$0x40]  }
0xf6: {  	v30 =	vld [tilespmem:s16+$0xD0]  }
0xf7: {  	v31 =	vld [tilespmem:s16+$0x50]  }
0xf8: {  	v32 =	vld [tilespmem:s16+$0xE0]  }
0xf9: {  	v34 =	vld [tilespmem:s16+$0xFFFFFF80]  }
0xfa: {  	v3 =	vld.idx.msk [tilespmem:v3+s2+$0x0], $0xffff  }
0xfb: {  	v4 =	vld.idx.msk [tilespmem:v4+s9+$0x0], $0xffff  }
0xfc: {  	v5 =	vld.idx.msk [tilespmem:v5+s9+$0x0], $0xffff  }
0xfd: {  	v6 =	vld.idx.msk [tilespmem:v6+s2+$0x0], $0xffff  }
0xfe: {  	v7 =	vld.idx.msk [tilespmem:v7+s9+$0x0], $0xffff  }
0xff: {  	v8 =	vld.idx.msk [tilespmem:v8+s2+$0x0], $0xffff  }
0x100: {  	v9 =	vld.idx.msk [tilespmem:v9+s9+$0x0], $0xffff  }
0x101: {  	v10 =	vld.idx.msk [tilespmem:v10+s2+$0x0], $0xffff  }
0x102: {  	v34 =	vld.idx.msk [tilespmem:v34+s2+$0x0], $0xffff  }
0x103: {  	v11 =	vld.idx.msk [tilespmem:v11+s9+$0x0], $0xffff  }
0x104: {  	v3 =	vsub.f32 v3, v4;
	v4 =	vld.idx.msk [tilespmem:v12+s2+$0x0], $0xffff  }
0x105: {  	v12 =	vld.idx.msk [tilespmem:v13+s9+$0x0], $0xffff  }
0x106: {  	v6 =	vsub.f32 v6, v7;
	v7 =	vld.idx.msk [tilespmem:v14+s2+$0x0], $0xffff  }
0x107: {  	v13 =	vld.idx.msk [tilespmem:v15+s9+$0x0], $0xffff;
	v8 =	vsub.f32 v8, v9;
	v5 =	vsub.f32 v34, v5  }
0x108: {  	v9 =	vld.idx.msk [tilespmem:v16+s2+$0x0], $0xffff;
	v10 =	vsub.f32 v10, v11;
	v3 =	vadd.f32 v3, v2  }
0x109: {  	v14 =	vld.idx.msk [tilespmem:v17+s9+$0x0], $0xffff;
	v6 =	vadd.f32 v6, v2;
	v8 =	vadd.f32 v8, v2  }
0x10a: {  	v33 =	vld [tilespmem:s16+$0x60];
	v5 =	vadd.f32 v5, v2;
	v10 =	vadd.f32 v10, v2  }
0x10b: {  	v61 =	vld.idx.msk [tilespmem:v21+s9+$0x0], $0xffff;
	v3 =	vand.u32 $0x7FFFFFFF, v3;
	v6 =	vand.u32 $0x7FFFFFFF, v6;
	v8 =	vand.u32 $0x7FFFFFFF, v8  }
0x10c: {  	v11 =	vld.idx.msk [tilespmem:v18+s2+$0x0], $0xffff;
	v5 =	vand.u32 $0x7FFFFFFF, v5;
	v3 =	vmul.f32 v3, v1;
	v6 =	vmul.f32 v6, v1  }
0x10d: {  	v15 =	vld.idx.msk [tilespmem:v19+s9+$0x0], $0xffff;
	v4 =	vsub.f32 v4, v12;
	v8 =	vmul.f32 v8, v1;
	v7 =	vsub.f32 v7, v13  }
0x10e: {  	v12 =	vld.idx.msk [tilespmem:v20+s2+$0x0], $0xffff;
	v5 =	vmul.f32 v5, v1;
	v9 =	vsub.f32 v9, v14;
	v3 =	vadd.f32 v3, v0  }
0x10f: {  	s16 =	simm.s32 $0x9F80;
	v13 =	vld.idx.msk [tilespmem:v22+s2+$0x0], $0xffff;
	v6 =	vadd.f32 v6, v0;
	v4 =	vadd.f32 v4, v2  }
0x110: {  	v14 =	vld.idx.msk [tilespmem:v24+s2+$0x0], $0xffff;
	v8 =	vadd.f32 v8, v0;
	v5 =	vadd.f32 v5, v0;
	[tilespmem:s16+$0x70] =	vst v3;
	v3 =	vand.u32 $0x7FFFFFFF, v10  }
0x111: {  	v10 =	vld.idx.msk [tilespmem:v23+s9+$0x0], $0xffff;
	[tilespmem:s16+$0xFFFFFF90] =	vst v6;
	v6 =	vadd.f32 v9, v2;
	v3 =	vmul.f32 v3, v1  }
0x112: {  	v7 =	vadd.f32 v7, v2;
	v4 =	vand.u32 $0x7FFFFFFF, v4;
	v9 =	vsub.f32 v11, v15;
	v11 =	vld.idx.msk [tilespmem:v25+s9+$0x0], $0xffff;
	[tilespmem:s16+$0xFFFFFFA0] =	vst v8  }
0x113: {  	v8 =	vld.idx.msk [tilespmem:v26+s2+$0x0], $0xffff;
	[tilespmem:s16+$0xFFFFFF80] =	vst v5;
	v5 =	vand.u32 $0x7FFFFFFF, v6;
	v15 =	vadd.f32 v3, v0;
	v3 =	vmul.f32 v4, v1  }
0x114: {  	v6 =	vadd.f32 v9, v2;
	v4 =	vand.u32 $0x7FFFFFFF, v7;
	v7 =	vsub.f32 v12, v61;
	v12 =	vld.idx.msk [tilespmem:v27+s9+$0x0], $0xffff  }
0x115: {  	v62 =	vmul.f32 v5, v1;
	v5 =	vld.idx.msk [tilespmem:v29+s9+$0x0], $0xffff;
	v4 =	vmul.f32 v4, v1;
	v9 =	vadd.f32 v3, v0  }
0x116: {  	v6 =	vand.u32 $0x7FFFFFFF, v6;
	v3 =	vld.idx.msk [tilespmem:v28+s2+$0x0], $0xffff;
	[tilespmem:s16+$0xFFFFFFB0] =	vst v15;
	v7 =	vadd.f32 v7, v2;
	v10 =	vsub.f32 v13, v10  }
0x117: {  	v15 =	vadd.f32 v62, v0;
	v6 =	vmul.f32 v6, v1;
	v13 =	vadd.f32 v4, v0;
	v4 =	vld.idx.msk [tilespmem:v30+s2+$0x0], $0xffff  }
0x118: {  	v14 =	vsub.f32 v14, v11;
	[tilespmem:s16+$0xFFFFFFC0] =	vst v9;
	v63 =	vand.u32 $0x7FFFFFFF, v7;
	v10 =	vadd.f32 v10, v2;
	v7 =	vld.idx.msk [tilespmem:v31+s9+$0x0], $0xffff  }
0x119: {  	v9 =	vadd.f32 v6, v0;
	v6 =	vld.idx.msk [tilespmem:v32+s2+$0x0], $0xffff;
	[tilespmem:s16+$0xFFFFFFE0] =	vst v15;
	v11 =	vmul.f32 v63, v1  }
0x11a: {  	s17 =	simm.s32 $0x0;
	s18 =	simm.s32 $0x5200;
	[tilespmem:s16+$0xFFFFFFD0] =	vst v13;
	v12 =	vsub.f32 v8, v12;
	v8 =	vld.idx.msk [tilespmem:v33+s9+$0x0], $0xffff;
	v13 =	vand.u32 $0x7FFFFFFF, v10;
	v10 =	vadd.f32 v14, v2  }
.LBB2_6:
0x11b: {  	v14 =	vld [tilespmem:s18+$0xF0];
	[tilespmem:s16+$0xFFFFFFF0] =	vst v9;
	v9 =	vadd.f32 v11, v0;
	v11 =	vmul.f32 v13, v1  }
0x11c: {  	s17 =	sadd.s32 $0x100, s17;
	v10 =	vand.u32 $0x7FFFFFFF, v10;
	v12 =	vadd.f32 v12, v2;
	v3 =	vsub.f32 v3, v5;
	v13 =	vld [tilespmem:s18+$0x70]  }
0x11d: {  	p1 =	slt.u32 s17, $0x2500;
	v10 =	vmul.f32 v10, v1;
	v5 =	vld [tilespmem:s18+$0xFFFFFF00];
	[tilespmem:s16+$0x0] =	vst v9;
	v9 =	vadd.f32 v11, v0  }
0x11e: {  	v4 =	vsub.f32 v4, v7;
	v12 =	vand.u32 $0x7FFFFFFF, v12;
	v3 =	vadd.f32 v3, v2;
	v11 =	vld [tilespmem:s18+$0xFFFFFF90]  }
0x11f: {  	v7 =	vld [tilespmem:s18+$0xFFFFFF10];
	[tilespmem:s16+$0x10] =	vst v9;
	v9 =	vadd.f32 v10, v0;
	v10 =	vmul.f32 v12, v1  }
0x120: {  	v6 =	vsub.f32 v6, v8;
	v4 =	vadd.f32 v4, v2;
	v3 =	vand.u32 $0x7FFFFFFF, v3;
	v12 =	vld [tilespmem:s18+$0xFFFFFFA0]  }
0x121: {  	v3 =	vmul.f32 v3, v1;
	v8 =	vld [tilespmem:s18+$0xFFFFFF20];
	[tilespmem:s16+$0x20] =	vst v9;
	v9 =	vadd.f32 v10, v0  }
0x122: {  	v6 =	vadd.f32 v6, v2;
	v4 =	vand.u32 $0x7FFFFFFF, v4;
	v10 =	vld [tilespmem:s18+$0xFFFFFFB0]  }
0x123: {  	v4 =	vmul.f32 v4, v1;
	v3 =	vadd.f32 v3, v0;
	v14 =	vld.idx.msk [tilespmem:v14+s2+$0x0], $0xffff;
	[tilespmem:s16+$0x30] =	vst v9  }
0x124: {  	v6 =	vand.u32 $0x7FFFFFFF, v6;
	v9 =	vld.idx.msk [tilespmem:v13+s9+$0x0], $0xffff  }
0x125: {  	v13 =	vld [tilespmem:s18+$0xFFFFFF30];
	[tilespmem:s16+$0x40] =	vst v3;
	v3 =	vadd.f32 v4, v0;
	v4 =	vmul.f32 v6, v1  }
0x126: {  	v6 =	vld [tilespmem:s18+$0xFFFFFFC0]  }
0x127: {  	v15 =	vld [tilespmem:s18+$0xFFFFFF40];
	[tilespmem:s16+$0x50] =	vst v3;
	v3 =	vadd.f32 v4, v0  }
0x128: {  	v4 =	vld [tilespmem:s18+$0xFFFFFFD0]  }
0x129: {  	v16 =	vld [tilespmem:s18+$0xFFFFFF50];
	[tilespmem:s16+$0x60] =	vst v3  }
0x12a: {  	v9 =	vsub.f32 v14, v9;
	v3 =	vld [tilespmem:s18+$0xFFFFFFE0]  }
0x12b: {  	v14 =	vld [tilespmem:s18+$0xFFFFFF60]  }
0x12c: {  	v9 =	vadd.f32 v9, v2;
	v17 =	vld [tilespmem:s18+$0xFFFFFFF0]  }
0x12d: {  	v18 =	vld [tilespmem:s18+$0xFFFFFF70]  }
0x12e: {  	v9 =	vand.u32 $0x7FFFFFFF, v9;
	v19 =	vld [tilespmem:s18+$0x80]  }
0x12f: {  	v9 =	vmul.f32 v9, v1;
	v20 =	vld [tilespmem:s18+$0x0]  }
0x130: {  	v21 =	vld [tilespmem:s18+$0x90]  }
0x131: {  	v9 =	vadd.f32 v9, v0;
	v22 =	vld [tilespmem:s18+$0x10]  }
0x132: {  	s16 =	sadd.s32 $0x100, s16;
	v23 =	vld [tilespmem:s18+$0xA0]  }
0x133: {  	v24 =	vld [tilespmem:s18+$0x20];
	[tilespmem:s16+$0x70] =	vst v9  }
0x134: {  	v9 =	vld [tilespmem:s18+$0xB0]  }
0x135: {  	v25 =	vld [tilespmem:s18+$0x30]  }
0x136: {  	v26 =	vld [tilespmem:s18+$0xC0]  }
0x137: {  	v27 =	vld [tilespmem:s18+$0x40]  }
0x138: {  	v28 =	vld [tilespmem:s18+$0xD0]  }
0x139: {  	v29 =	vld [tilespmem:s18+$0x50]  }
0x13a: {  	v30 =	vld [tilespmem:s18+$0xE0]  }
0x13b: {  	v31 =	vld [tilespmem:s18+$0x60]  }
0x13c: {  	v32 =	vld [tilespmem:s18+$0xFFFFFF80]  }
0x13d: {  	v5 =	vld.idx.msk [tilespmem:v5+s9+$0x0], $0xffff  }
0x13e: {  	v11 =	vld.idx.msk [tilespmem:v11+s2+$0x0], $0xffff  }
0x13f: {  	v7 =	vld.idx.msk [tilespmem:v7+s9+$0x0], $0xffff  }
0x140: {  	v12 =	vld.idx.msk [tilespmem:v12+s2+$0x0], $0xffff  }
0x141: {  	v8 =	vld.idx.msk [tilespmem:v8+s9+$0x0], $0xffff  }
0x142: {  	v10 =	vld.idx.msk [tilespmem:v10+s2+$0x0], $0xffff  }
0x143: {  	v13 =	vld.idx.msk [tilespmem:v13+s9+$0x0], $0xffff  }
0x144: {  	v32 =	vld.idx.msk [tilespmem:v32+s2+$0x0], $0xffff  }
0x145: {  	v7 =	vsub.f32 v11, v7;
	v6 =	vld.idx.msk [tilespmem:v6+s2+$0x0], $0xffff  }
0x146: {  	v11 =	vld.idx.msk [tilespmem:v15+s9+$0x0], $0xffff  }
0x147: {  	v7 =	vadd.f32 v7, v2;
	v8 =	vsub.f32 v12, v8;
	v4 =	vld.idx.msk [tilespmem:v4+s2+$0x0], $0xffff  }
0x148: {  	v12 =	vld.idx.msk [tilespmem:v16+s9+$0x0], $0xffff  }
0x149: {  	v7 =	vand.u32 $0x7FFFFFFF, v7;
	v8 =	vadd.f32 v8, v2;
	v10 =	vsub.f32 v10, v13;
	v3 =	vld.idx.msk [tilespmem:v3+s2+$0x0], $0xffff  }
0x14a: {  	v5 =	vsub.f32 v32, v5;
	v7 =	vmul.f32 v7, v1;
	v13 =	vld.idx.msk [tilespmem:v14+s9+$0x0], $0xffff  }
0x14b: {  	v8 =	vand.u32 $0x7FFFFFFF, v8;
	v10 =	vadd.f32 v10, v2;
	v14 =	vld.idx.msk [tilespmem:v17+s2+$0x0], $0xffff  }
0x14c: {  	v5 =	vadd.f32 v5, v2;
	v8 =	vmul.f32 v8, v1;
	v6 =	vsub.f32 v6, v11;
	v11 =	vld.idx.msk [tilespmem:v18+s9+$0x0], $0xffff  }
0x14d: {  	v7 =	vadd.f32 v7, v0;
	v10 =	vand.u32 $0x7FFFFFFF, v10;
	v15 =	vld.idx.msk [tilespmem:v19+s2+$0x0], $0xffff  }
0x14e: {  	v5 =	vand.u32 $0x7FFFFFFF, v5;
	v6 =	vadd.f32 v6, v2;
	v4 =	vsub.f32 v4, v12;
	v12 =	vld.idx.msk [tilespmem:v20+s9+$0x0], $0xffff  }
0x14f: {  	v8 =	vadd.f32 v8, v0;
	v10 =	vmul.f32 v10, v1;
	v5 =	vmul.f32 v5, v1;
	v16 =	vld.idx.msk [tilespmem:v21+s2+$0x0], $0xffff  }
0x150: {  	v6 =	vand.u32 $0x7FFFFFFF, v6;
	v4 =	vadd.f32 v4, v2;
	v3 =	vsub.f32 v3, v13;
	[tilespmem:s16+$0xFFFFFF90] =	vst v7;
	v7 =	vld.idx.msk [tilespmem:v22+s9+$0x0], $0xffff  }
0x151: {  	v10 =	vadd.f32 v10, v0;
	v5 =	vadd.f32 v5, v0;
	v6 =	vmul.f32 v6, v1;
	v13 =	vld.idx.msk [tilespmem:v23+s2+$0x0], $0xffff  }
0x152: {  	v4 =	vand.u32 $0x7FFFFFFF, v4;
	v3 =	vadd.f32 v3, v2;
	[tilespmem:s16+$0xFFFFFFA0] =	vst v8;
	v8 =	vsub.f32 v14, v11;
	v11 =	vld.idx.msk [tilespmem:v24+s9+$0x0], $0xffff  }
0x153: {  	v4 =	vmul.f32 v4, v1;
	[tilespmem:s16+$0xFFFFFF80] =	vst v5;
	v5 =	vadd.f32 v6, v0;
	v14 =	vld.idx.msk [tilespmem:v9+s2+$0x0], $0xffff  }
0x154: {  	v3 =	vand.u32 $0x7FFFFFFF, v3;
	[tilespmem:s16+$0xFFFFFFB0] =	vst v10;
	v6 =	vadd.f32 v8, v2;
	v8 =	vsub.f32 v15, v12;
	v12 =	vld.idx.msk [tilespmem:v25+s9+$0x0], $0xffff  }
0x155: {  	v4 =	vadd.f32 v4, v0;
	v9 =	vmul.f32 v3, v1;
	[tilespmem:s16+$0xFFFFFFC0] =	vst v5;
	v3 =	vld.idx.msk [tilespmem:v26+s2+$0x0], $0xffff  }
.Ltmp5:
0x156: {  	v7 =	vsub.f32 v16, v7;
	v6 =	vand.u32 $0x7FFFFFFF, v6;
	v8 =	vadd.f32 v8, v2;
	v5 =	vld.idx.msk [tilespmem:v27+s9+$0x0], $0xffff;
	(pc) =	sbr.rel @p1 .LBB2_6-.Ltmp5, $4  }
0x157: {  	v9 =	vadd.f32 v9, v0;
	[tilespmem:s16+$0xFFFFFFD0] =	vst v4;
	v6 =	vmul.f32 v6, v1;
	v4 =	vld.idx.msk [tilespmem:v28+s2+$0x0], $0xffff  }
0x158: {  	v10 =	vadd.f32 v7, v2;
	v15 =	vsub.f32 v13, v11;
	v8 =	vand.u32 $0x7FFFFFFF, v8;
	v7 =	vld.idx.msk [tilespmem:v29+s9+$0x0], $0xffff  }
0x159: {  	[tilespmem:s16+$0xFFFFFFE0] =	vst v9;
	v9 =	vadd.f32 v6, v0;
	v11 =	vmul.f32 v8, v1;
	v6 =	vld.idx.msk [tilespmem:v30+s2+$0x0], $0xffff  }
0x15a: {  	s18 =	sadd.s32 $0x200, s18;
	v13 =	vand.u32 $0x7FFFFFFF, v10;
	v10 =	vadd.f32 v15, v2;
	v12 =	vsub.f32 v14, v12;
	v8 =	vld.idx.msk [tilespmem:v31+s9+$0x0], $0xffff  }
.Ltmp6:
0x15b: {  	_ = 	snop;
	(pc) =	sbr.rel .LBB2_7-.Ltmp6, $1  }
0x15c: {  	_ =	sdelay $0x3  }
.LBB2_9:
0x15d: {  	_ =	sfence.sel $0x180000  }
0x15e: {  	[bflag:$0x0] =	sbarrier.arrive $0xFFFF  }
0x15f: {  	p0 =	sne.s32 s1, $0x0;
	_ =	strace $0x90000047  }
0x160: {  	s0 =	sadd.s32 @!p0 $0x100000, s0;
	[bflag:$0x2] =	sbarrier.arrive $0xFFFF  }
0x161: {  	[sflag:s0] =	ssyncadd.tile.s32 @!p0 $0x1;
	_ =	shalt  }
.Lfunc_end2:
_tile_overlayer_lowered:
.L_overlay_start_2:
0x162: {  	(tag) =	ssettag $0x2  }
0x163: {  	s0 =	rddreg [dreg:$0x0];
	s2 =	stileid.u32  }
0x164: {  	s1 =	rddreg [dreg:$0x1];
	p0 =	sne.s32 s2, $0x0  }
0x165: {  	s3 =	rddreg [dreg:$0x2];
	[bflag:$0x3] =	sbarrier.arrive $0xFFFF;
	s2 =	simm.s32 @!p0 $0x1C02  }
0x166: {  	[timem:s3], [sflag:s2] =	dma.local @!p0 [hbm:s0], s1  }
0x167: {  	s0 =	simm.s32 @!p0 $0x2  }
0x168: {  	_ =	swait.ge @!p0 [sflag:s0], s1  }
0x169: {  	s1 =	ssub.s32 @!p0 $0x0, s1;
	[sflag:s0] =	ssyncset.done @!p0 $0x0  }
0x16a: {  	[sflag:s0] =	ssyncadd.s32 @!p0 s1  }
0x16b: {  	[bflag:$0x3] =	sbarrier.arrive $0xFFFF  }
0x16c: {  	_ =	shalt  }

</sc_bundles>
